<compile_context>
chip_gen: v7x
topology: tpu7x:2x2x1
jax: 0.10.2.dev20260603
libtpu: 0.0.44.dev20260713+nightly
codegen_flags: <defaults>
</compile_context>

<pallas_src>
import jax
import jax.numpy as jnp
from jax import lax
from jax.experimental import pallas as pl
from jax.experimental.pallas import tpu as pltpu
from jax.experimental.pallas import tpu_sc as plsc

N = 320000
D = 128
NUM_SEG = 10000
R = 128
NCHUNKS = N // R
HALF = NCHUNKS // 2
NTILES = 16
SEG_SLICE = 624


SUP = 1
NSUP = NCHUNKS // SUP
HALF_S = NSUP // 2


def _body(x_hbm, lab_hbm, zero_hbm, out_hbm,
          lab0, lab1, lab2, rows0, rows1, rows2, probe_v, acc_sh, smem_s,
          sem_r0, sem_r1, sem_r2, sem_l0, sem_l1, sem_l2,
          sem_s0, sem_s1, sem_s2):
    cid = lax.axis_index("c")
    s = lax.axis_index("s")
    labs = (lab0, lab1, lab2)
    rows = (rows0, rows1, rows2)
    sem_r = (sem_r0, sem_r1, sem_r2)
    sem_l = (sem_l0, sem_l1, sem_l2)
    sem_s = (sem_s0, sem_s1, sem_s2)

    start = cid * HALF_S + s
    n = (HALF_S - s + NTILES - 1) // NTILES

    def sup_of(k):
        return start + NTILES * k

    def issue(b, k):
        c = sup_of(k)
        pltpu.async_copy(lab_hbm.at[pl.ds(c * R, R)], labs[b].at[0], sem_l[b])
        pltpu.async_copy(x_hbm.at[pl.ds(c * R, R), :], rows[b], sem_r[b])

    def wait(b, k):
        c = sup_of(k)
        pltpu.make_async_copy(lab_hbm.at[pl.ds(c * R, R)], labs[b].at[0], sem_l[b]).wait()
        pltpu.make_async_copy(x_hbm.at[pl.ds(c * R, R), :], rows[b], sem_r[b]).wait()

    pltpu.sync_copy(
        zero_hbm.at[pl.ds(s * SEG_SLICE, SEG_SLICE), :],
        acc_sh.at[pl.ds(s * SEG_SLICE, SEG_SLICE), :],
    )

    @pl.when(s == 0)
    def _():
        pltpu.sync_copy(
            zero_hbm.at[pl.ds(NTILES * SEG_SLICE, NUM_SEG - NTILES * SEG_SLICE), :],
            acc_sh.at[pl.ds(NTILES * SEG_SLICE, NUM_SEG - NTILES * SEG_SLICE), :],
        )

    issue(0, 0)
    issue(1, 1)
    issue(2, 2)

    plsc.subcore_barrier()

    def ring_body(g, carry):
        for b in (0, 1, 2):
            k = 3 * g + b
            b2 = (b + 2) % 3

            @pl.when(k < n)
            def _():
                wait(b, k)
                pltpu.sync_copy(rows[b], acc_sh.at[labs[b].at[0]], add=True)

                @pl.when(k + 3 < n)
                def _():
                    issue(b, k + 3)
        return carry

    lax.fori_loop(0, (n + 2) // 3, ring_body, 0)

    pltpu.sync_copy(lab_hbm.at[pl.ds(N // 2, 16)], probe_v)
    m = probe_v[...][0]
    M = (m // 8 + 1) * 8

    @pl.when(cid == 0)
    def _():
        def tail_step(j, active):
            c = HALF + s + NTILES * j
            do = (active != 0) & (c < NCHUNKS)

            @pl.when(do)
            def _():
                pltpu.sync_copy(lab_hbm.at[pl.ds(c * R, R)], lab0.at[0])
                first = lab0.at[0][...][0]
                smem_s[0] = first

                @pl.when(first < M)
                def _():
                    pltpu.sync_copy(x_hbm.at[pl.ds(c * R, R), :], rows0.at[pl.ds(0, R), :])
                    pltpu.sync_copy(
                        rows0.at[pl.ds(0, R), :], acc_sh.at[lab0.at[0]], add=True
                    )

            first2 = smem_s[0]
            return jnp.where(do & (first2 < M), jnp.int32(1), jnp.int32(0))

        lax.fori_loop(0, (NCHUNKS - HALF) // NTILES + 1, tail_step, jnp.int32(1))

    plsc.subcore_barrier()

    base = jnp.where(cid == 0, 0, M)
    count = jnp.where(cid == 0, M, NUM_SEG - M)
    n64 = count // 64
    nblk = jnp.maximum(0, (n64 - s + NTILES - 1) // NTILES)

    def wr_issue(j, carry):
        off = base + 64 * (s + NTILES * j)
        pltpu.async_copy(
            acc_sh.at[pl.ds(off, 64), :], out_hbm.at[pl.ds(off, 64), :], sem_s0
        )
        return carry

    lax.fori_loop(0, nblk, wr_issue, 0)

    def wr_drain(j, carry):
        off = base + 64 * (s + NTILES * j)
        pltpu.make_async_copy(
            acc_sh.at[pl.ds(off, 64), :], out_hbm.at[pl.ds(off, 64), :], sem_s0
        ).wait()
        return carry

    lax.fori_loop(0, nblk, wr_drain, 0)

    @pl.when(s == 0)
    def _():
        rem8 = (count - 64 * n64) // 8

        def rem_body(r, carry):
            off = base + 64 * n64 + 8 * r
            pltpu.sync_copy(acc_sh.at[pl.ds(off, 8), :], out_hbm.at[pl.ds(off, 8), :])
            return carry

        lax.fori_loop(0, rem8, rem_body, 0)


@jax.jit
def kernel(x, monomer_labels_i):
    zeros = jnp.zeros((NUM_SEG, D), jnp.float32)
    mesh = plsc.VectorSubcoreMesh(core_axis_name="c", subcore_axis_name="s")
    f = pl.kernel(
        _body,
        out_type=jax.ShapeDtypeStruct((NUM_SEG, D), jnp.float32),
        mesh=mesh,
        scratch_types=[
            pltpu.VMEM((SUP, R), jnp.int32),
            pltpu.VMEM((SUP, R), jnp.int32),
            pltpu.VMEM((SUP, R), jnp.int32),
            pltpu.VMEM((SUP * R, D), jnp.float32),
            pltpu.VMEM((SUP * R, D), jnp.float32),
            pltpu.VMEM((SUP * R, D), jnp.float32),
            pltpu.VMEM((16,), jnp.int32),
            pltpu.VMEM_SHARED((NUM_SEG, D), jnp.float32),
            pltpu.SMEM((1,), jnp.int32),
            pltpu.SemaphoreType.DMA,
            pltpu.SemaphoreType.DMA,
            pltpu.SemaphoreType.DMA,
            pltpu.SemaphoreType.DMA,
            pltpu.SemaphoreType.DMA,
            pltpu.SemaphoreType.DMA,
            pltpu.SemaphoreType.DMA,
            pltpu.SemaphoreType.DMA,
            pltpu.SemaphoreType.DMA,
        ],
    )
    return f(x, monomer_labels_i, zeros)

# --- scband reference (transcript-rebuilt; emitter-appended) ---
"""Pipeline reference for scband-read-out-atom-65979287601514 (READ-ONLY COPY).

The authoritative reference and input builder live on the scoring server;
editing this copy changes nothing except your own understanding.
"""

import jax, jax.numpy as jnp
import numpy as np

N = 320000
D = 128
NUM_SEGMENTS = 10000


def setup_inputs(seed: int = 0) -> dict:
    key = jax.random.key(seed)
    k1, k2 = jax.random.split(key)
    x = jax.random.normal(k1, (N, D), dtype=jnp.float32)
    monomer_labels_i = jnp.sort(
        jax.random.randint(k2, (N,), 0, NUM_SEGMENTS, dtype=jnp.int32)
    )
    return {"x": x, "monomer_labels_i": monomer_labels_i}


def reference(x, monomer_labels_i):
    # torch_scatter.scatter(x, idx, dim=0, reduce='sum') -> segment sum over dim 0
    return jax.ops.segment_sum(x, monomer_labels_i, num_segments=NUM_SEGMENTS)

if __name__ == "__main__":
    import jax
    _d = setup_inputs()
    print(jax.jit(kernel)(*tuple(_d.values())))

</pallas_src>

<mosaic_0001>
#map = affine_map<(d0, d1) -> (0, 0)>
#map1 = affine_map<(d0, d1) -> (0)>
module attributes {stable_mosaic.version = 14 : i64} {
  func.func @_body(%arg0: i32, %arg1: i32, %arg2: memref<320000x128xf32, #tpu.memory_space<hbm>>, %arg3: memref<320000xi32, #tpu.memory_space<hbm>>, %arg4: memref<10000x128xf32, #tpu.memory_space<hbm>>, %arg5: memref<10000x128xf32, #tpu.memory_space<hbm>>, %arg6: memref<1x128xi32, #tpu.memory_space<vmem>>, %arg7: memref<1x128xi32, #tpu.memory_space<vmem>>, %arg8: memref<1x128xi32, #tpu.memory_space<vmem>>, %arg9: memref<128x128xf32, #tpu.memory_space<vmem>>, %arg10: memref<128x128xf32, #tpu.memory_space<vmem>>, %arg11: memref<128x128xf32, #tpu.memory_space<vmem>>, %arg12: memref<16xi32, #tpu.memory_space<vmem>>, %arg13: memref<10000x128xf32, #tpu.memory_space<vmem_shared>>, %arg14: memref<1xi32, #tpu.memory_space<smem>>, %arg15: memref<!tpu.dma_semaphore, #tpu.memory_space<semaphore_mem>>, %arg16: memref<!tpu.dma_semaphore, #tpu.memory_space<semaphore_mem>>, %arg17: memref<!tpu.dma_semaphore, #tpu.memory_space<semaphore_mem>>, %arg18: memref<!tpu.dma_semaphore, #tpu.memory_space<semaphore_mem>>, %arg19: memref<!tpu.dma_semaphore, #tpu.memory_space<semaphore_mem>>, %arg20: memref<!tpu.dma_semaphore, #tpu.memory_space<semaphore_mem>>, %arg21: memref<!tpu.dma_semaphore, #tpu.memory_space<semaphore_mem>>, %arg22: memref<!tpu.dma_semaphore, #tpu.memory_space<semaphore_mem>>, %arg23: memref<!tpu.dma_semaphore, #tpu.memory_space<semaphore_mem>>) attributes {dimension_semantics = [#tpu.dimension_semantics<core_parallel>, #tpu.dimension_semantics<subcore_parallel>], iteration_bounds = array<i64: 2, 16>, scalar_prefetch = 0 : i64, scratch_operands = 18 : i64, tpu.core_type = #tpu.core_type<sc_vector_subcore>, window_params = [{transform_indices = #map}, {transform_indices = #map1}, {transform_indices = #map}, {transform_indices = #map}]} {
    %mul3A = arith.constant 1250 : i32
    %mul3A_0 = arith.muli %arg0, %mul3A : i32
    %add3A = arith.addi %mul3A_0, %arg1 : i32
    %sub3A = arith.constant 1250 : i32
    %sub3A_1 = arith.subi %sub3A, %arg1 : i32
    %add3A_2 = arith.constant 16 : i32
    %add3A_3 = arith.addi %sub3A_1, %add3A_2 : i32
    %sub3A_4 = arith.constant 1 : i32
    %sub3A_5 = arith.subi %add3A_3, %sub3A_4 : i32
    %jit3A = arith.constant 16 : i32
    %div3A = arith.divsi %sub3A_5, %jit3A : i32
    %sign3A = arith.constant 0 : i32
    %sign3A_6 = arith.cmpi sgt, %sub3A_5, %sign3A : i32
    %sign3A_7 = arith.extui %sign3A_6 : i1 to i32
    %sign3A_8 = arith.constant 0 : i32
    %sign3A_9 = arith.cmpi slt, %sub3A_5, %sign3A_8 : i32
    %sign3A_10 = arith.extui %sign3A_9 : i1 to i32
    %sign3A_11 = arith.subi %sign3A_7, %sign3A_10 : i32
    %sign3A_12 = arith.constant 0 : i32
    %sign3A_13 = arith.cmpi sgt, %jit3A, %sign3A_12 : i32
    %sign3A_14 = arith.extui %sign3A_13 : i1 to i32
    %sign3A_15 = arith.constant 0 : i32
    %sign3A_16 = arith.cmpi slt, %jit3A, %sign3A_15 : i32
    %sign3A_17 = arith.extui %sign3A_16 : i1 to i32
    %sign3A_18 = arith.subi %sign3A_14, %sign3A_17 : i32
    %ne3A = arith.cmpi ne, %sign3A_11, %sign3A_18 : i32
    %rem3A = arith.remsi %sub3A_5, %jit3A : i32
    %ne3A_19 = arith.constant 0 : i32
    %ne3A_20 = arith.cmpi ne, %rem3A, %ne3A_19 : i32
    %and3A = arith.andi %ne3A, %ne3A_20 : i1
    %sub3A_21 = arith.constant 1 : i32
    %sub3A_22 = arith.subi %div3A, %sub3A_21 : i32
    %select_n3A = arith.select %and3A, %sub3A_22, %div3A : i32
    %mul3A_23 = arith.constant 624 : i32
    %mul3A_24 = arith.muli %arg1, %mul3A_23 : i32
    %mul3A_25 = arith.constant 624 : i32
    %mul3A_26 = arith.muli %arg1, %mul3A_25 : i32
    "tpu.region"() ({
      %run_scoped3A = tpu.sem_alloc : memref<!tpu.dma_semaphore, #tpu.memory_space<semaphore_mem>>
      %dma_start3A_244 = arith.constant 0 : i32
      %dma_start3A_245 = tpu.memref_slice %arg13[%mul3A_26, %dma_start3A_244] : memref<10000x128xf32, #tpu.memory_space<vmem_shared>> -> memref<624x128xf32, #tpu.memory_space<vmem_shared>>
      %dma_start3A_246 = arith.constant 0 : i32
      %dma_start3A_247 = tpu.memref_slice %arg4[%mul3A_24, %dma_start3A_246] : memref<10000x128xf32, #tpu.memory_space<hbm>> -> memref<624x128xf32, #tpu.memory_space<hbm>>
      tpu.enqueue_dma source(%dma_start3A_247 : memref<624x128xf32, #tpu.memory_space<hbm>>) target(%dma_start3A_245 : memref<624x128xf32, #tpu.memory_space<vmem_shared>>) target_semaphore(%run_scoped3A : memref<!tpu.dma_semaphore, #tpu.memory_space<semaphore_mem>>)
      %dma_wait3A = arith.constant 0 : i32
      %dma_wait3A_248 = tpu.memref_slice %arg13[%mul3A_26, %dma_wait3A] : memref<10000x128xf32, #tpu.memory_space<vmem_shared>> -> memref<624x128xf32, #tpu.memory_space<vmem_shared>>
      %dma_wait3A_249 = arith.constant 0 : i32
      %dma_wait3A_250 = tpu.memref_slice %arg4[%mul3A_24, %dma_wait3A_249] : memref<10000x128xf32, #tpu.memory_space<hbm>> -> memref<624x128xf32, #tpu.memory_space<hbm>>
      tpu.wait_dma2 semaphore(%run_scoped3A : memref<!tpu.dma_semaphore, #tpu.memory_space<semaphore_mem>>) src(%dma_wait3A_250 : memref<624x128xf32, #tpu.memory_space<hbm>>) dst(%dma_wait3A_248 : memref<624x128xf32, #tpu.memory_space<vmem_shared>>)
      tpu.yield
    }) : () -> ()
    %eq3A = arith.constant 0 : i32
    %eq3A_27 = arith.cmpi eq, %arg1, %eq3A : i32
    %convert_element_type3A = arith.extui %eq3A_27 : i1 to i32
    %cond3A = arith.constant 0 : i32
    %cond3A_28 = arith.cmpi ne, %convert_element_type3A, %cond3A : i32
    scf.if %cond3A_28 {
      "tpu.region"() ({
        %run_scoped3A = tpu.sem_alloc : memref<!tpu.dma_semaphore, #tpu.memory_space<semaphore_mem>>
        %dma_start3A_244 = arith.constant 9984 : i32
        %dma_start3A_245 = arith.constant 0 : i32
        %dma_start3A_246 = tpu.memref_slice %arg13[%dma_start3A_244, %dma_start3A_245] : memref<10000x128xf32, #tpu.memory_space<vmem_shared>> -> memref<16x128xf32, #tpu.memory_space<vmem_shared>>
        %dma_start3A_247 = arith.constant 9984 : i32
        %dma_start3A_248 = arith.constant 0 : i32
        %dma_start3A_249 = tpu.memref_slice %arg4[%dma_start3A_247, %dma_start3A_248] : memref<10000x128xf32, #tpu.memory_space<hbm>> -> memref<16x128xf32, #tpu.memory_space<hbm>>
        tpu.enqueue_dma source(%dma_start3A_249 : memref<16x128xf32, #tpu.memory_space<hbm>>) target(%dma_start3A_246 : memref<16x128xf32, #tpu.memory_space<vmem_shared>>) target_semaphore(%run_scoped3A : memref<!tpu.dma_semaphore, #tpu.memory_space<semaphore_mem>>)
        %dma_wait3A = arith.constant 9984 : i32
        %dma_wait3A_250 = arith.constant 0 : i32
        %dma_wait3A_251 = tpu.memref_slice %arg13[%dma_wait3A, %dma_wait3A_250] : memref<10000x128xf32, #tpu.memory_space<vmem_shared>> -> memref<16x128xf32, #tpu.memory_space<vmem_shared>>
        %dma_wait3A_252 = arith.constant 9984 : i32
        %dma_wait3A_253 = arith.constant 0 : i32
        %dma_wait3A_254 = tpu.memref_slice %arg4[%dma_wait3A_252, %dma_wait3A_253] : memref<10000x128xf32, #tpu.memory_space<hbm>> -> memref<16x128xf32, #tpu.memory_space<hbm>>
        tpu.wait_dma2 semaphore(%run_scoped3A : memref<!tpu.dma_semaphore, #tpu.memory_space<semaphore_mem>>) src(%dma_wait3A_254 : memref<16x128xf32, #tpu.memory_space<hbm>>) dst(%dma_wait3A_251 : memref<16x128xf32, #tpu.memory_space<vmem_shared>>)
        tpu.yield
      }) : () -> ()
    } else {
    }
    %add3A_29 = arith.constant 0 : i32
    %add3A_30 = arith.addi %add3A, %add3A_29 : i32
    %mul3A_31 = arith.constant 128 : i32
    %mul3A_32 = arith.muli %add3A_30, %mul3A_31 : i32
    %dma_start3A = arith.constant 0 : i32
    %dma_start3A_33 = arith.constant 0 : i32
    %dma_start3A_34 = tpu.memref_slice %arg6[%dma_start3A, %dma_start3A_33] : memref<1x128xi32, #tpu.memory_space<vmem>> -> memref<1x128xi32, #tpu.memory_space<vmem>>
    %dma_start3A_35 = tpu.memref_squeeze %dma_start3A_34 : memref<1x128xi32, #tpu.memory_space<vmem>> -> memref<128xi32, #tpu.memory_space<vmem>>
    %dma_start3A_36 = tpu.memref_slice %arg3[%mul3A_32] : memref<320000xi32, #tpu.memory_space<hbm>> -> memref<128xi32, #tpu.memory_space<hbm>>
    %dma_start3A_37 = arith.constant 0 : i32
    %dma_start3A_38 = tpu.memref_slice %arg6[%dma_start3A, %dma_start3A_37] : memref<1x128xi32, #tpu.memory_space<vmem>> -> memref<1x128xi32, #tpu.memory_space<vmem>>
    %dma_start3A_39 = tpu.memref_squeeze %dma_start3A_38 : memref<1x128xi32, #tpu.memory_space<vmem>> -> memref<128xi32, #tpu.memory_space<vmem>>
    %dma_start3A_40 = tpu.memref_slice %arg3[%mul3A_32] : memref<320000xi32, #tpu.memory_space<hbm>> -> memref<128xi32, #tpu.memory_space<hbm>>
    tpu.enqueue_dma source(%dma_start3A_40 : memref<128xi32, #tpu.memory_space<hbm>>) target(%dma_start3A_39 : memref<128xi32, #tpu.memory_space<vmem>>) target_semaphore(%arg18 : memref<!tpu.dma_semaphore, #tpu.memory_space<semaphore_mem>>)
    %mul3A_41 = arith.constant 128 : i32
    %mul3A_42 = arith.muli %add3A_30, %mul3A_41 : i32
    %dma_start3A_43 = arith.constant 0 : i32
    %dma_start3A_44 = tpu.memref_slice %arg2[%mul3A_42, %dma_start3A_43] : memref<320000x128xf32, #tpu.memory_space<hbm>> -> memref<128x128xf32, #tpu.memory_space<hbm>>
    %dma_start3A_45 = arith.constant 0 : i32
    %dma_start3A_46 = tpu.memref_slice %arg2[%mul3A_42, %dma_start3A_45] : memref<320000x128xf32, #tpu.memory_space<hbm>> -> memref<128x128xf32, #tpu.memory_space<hbm>>
    tpu.enqueue_dma source(%dma_start3A_46 : memref<128x128xf32, #tpu.memory_space<hbm>>) target(%arg9 : memref<128x128xf32, #tpu.memory_space<vmem>>) target_semaphore(%arg15 : memref<!tpu.dma_semaphore, #tpu.memory_space<semaphore_mem>>)
    %add3A_47 = arith.constant 16 : i32
    %add3A_48 = arith.addi %add3A, %add3A_47 : i32
    %mul3A_49 = arith.constant 128 : i32
    %mul3A_50 = arith.muli %add3A_48, %mul3A_49 : i32
    %dma_start3A_51 = arith.constant 0 : i32
    %dma_start3A_52 = arith.constant 0 : i32
    %dma_start3A_53 = tpu.memref_slice %arg7[%dma_start3A_51, %dma_start3A_52] : memref<1x128xi32, #tpu.memory_space<vmem>> -> memref<1x128xi32, #tpu.memory_space<vmem>>
    %dma_start3A_54 = tpu.memref_squeeze %dma_start3A_53 : memref<1x128xi32, #tpu.memory_space<vmem>> -> memref<128xi32, #tpu.memory_space<vmem>>
    %dma_start3A_55 = tpu.memref_slice %arg3[%mul3A_50] : memref<320000xi32, #tpu.memory_space<hbm>> -> memref<128xi32, #tpu.memory_space<hbm>>
    %dma_start3A_56 = arith.constant 0 : i32
    %dma_start3A_57 = tpu.memref_slice %arg7[%dma_start3A_51, %dma_start3A_56] : memref<1x128xi32, #tpu.memory_space<vmem>> -> memref<1x128xi32, #tpu.memory_space<vmem>>
    %dma_start3A_58 = tpu.memref_squeeze %dma_start3A_57 : memref<1x128xi32, #tpu.memory_space<vmem>> -> memref<128xi32, #tpu.memory_space<vmem>>
    %dma_start3A_59 = tpu.memref_slice %arg3[%mul3A_50] : memref<320000xi32, #tpu.memory_space<hbm>> -> memref<128xi32, #tpu.memory_space<hbm>>
    tpu.enqueue_dma source(%dma_start3A_59 : memref<128xi32, #tpu.memory_space<hbm>>) target(%dma_start3A_58 : memref<128xi32, #tpu.memory_space<vmem>>) target_semaphore(%arg19 : memref<!tpu.dma_semaphore, #tpu.memory_space<semaphore_mem>>)
    %mul3A_60 = arith.constant 128 : i32
    %mul3A_61 = arith.muli %add3A_48, %mul3A_60 : i32
    %dma_start3A_62 = arith.constant 0 : i32
    %dma_start3A_63 = tpu.memref_slice %arg2[%mul3A_61, %dma_start3A_62] : memref<320000x128xf32, #tpu.memory_space<hbm>> -> memref<128x128xf32, #tpu.memory_space<hbm>>
    %dma_start3A_64 = arith.constant 0 : i32
    %dma_start3A_65 = tpu.memref_slice %arg2[%mul3A_61, %dma_start3A_64] : memref<320000x128xf32, #tpu.memory_space<hbm>> -> memref<128x128xf32, #tpu.memory_space<hbm>>
    tpu.enqueue_dma source(%dma_start3A_65 : memref<128x128xf32, #tpu.memory_space<hbm>>) target(%arg10 : memref<128x128xf32, #tpu.memory_space<vmem>>) target_semaphore(%arg16 : memref<!tpu.dma_semaphore, #tpu.memory_space<semaphore_mem>>)
    %add3A_66 = arith.constant 32 : i32
    %add3A_67 = arith.addi %add3A, %add3A_66 : i32
    %mul3A_68 = arith.constant 128 : i32
    %mul3A_69 = arith.muli %add3A_67, %mul3A_68 : i32
    %dma_start3A_70 = arith.constant 0 : i32
    %dma_start3A_71 = arith.constant 0 : i32
    %dma_start3A_72 = tpu.memref_slice %arg8[%dma_start3A_70, %dma_start3A_71] : memref<1x128xi32, #tpu.memory_space<vmem>> -> memref<1x128xi32, #tpu.memory_space<vmem>>
    %dma_start3A_73 = tpu.memref_squeeze %dma_start3A_72 : memref<1x128xi32, #tpu.memory_space<vmem>> -> memref<128xi32, #tpu.memory_space<vmem>>
    %dma_start3A_74 = tpu.memref_slice %arg3[%mul3A_69] : memref<320000xi32, #tpu.memory_space<hbm>> -> memref<128xi32, #tpu.memory_space<hbm>>
    %dma_start3A_75 = arith.constant 0 : i32
    %dma_start3A_76 = tpu.memref_slice %arg8[%dma_start3A_70, %dma_start3A_75] : memref<1x128xi32, #tpu.memory_space<vmem>> -> memref<1x128xi32, #tpu.memory_space<vmem>>
    %dma_start3A_77 = tpu.memref_squeeze %dma_start3A_76 : memref<1x128xi32, #tpu.memory_space<vmem>> -> memref<128xi32, #tpu.memory_space<vmem>>
    %dma_start3A_78 = tpu.memref_slice %arg3[%mul3A_69] : memref<320000xi32, #tpu.memory_space<hbm>> -> memref<128xi32, #tpu.memory_space<hbm>>
    tpu.enqueue_dma source(%dma_start3A_78 : memref<128xi32, #tpu.memory_space<hbm>>) target(%dma_start3A_77 : memref<128xi32, #tpu.memory_space<vmem>>) target_semaphore(%arg20 : memref<!tpu.dma_semaphore, #tpu.memory_space<semaphore_mem>>)
    %mul3A_79 = arith.constant 128 : i32
    %mul3A_80 = arith.muli %add3A_67, %mul3A_79 : i32
    %dma_start3A_81 = arith.constant 0 : i32
    %dma_start3A_82 = tpu.memref_slice %arg2[%mul3A_80, %dma_start3A_81] : memref<320000x128xf32, #tpu.memory_space<hbm>> -> memref<128x128xf32, #tpu.memory_space<hbm>>
    %dma_start3A_83 = arith.constant 0 : i32
    %dma_start3A_84 = tpu.memref_slice %arg2[%mul3A_80, %dma_start3A_83] : memref<320000x128xf32, #tpu.memory_space<hbm>> -> memref<128x128xf32, #tpu.memory_space<hbm>>
    tpu.enqueue_dma source(%dma_start3A_84 : memref<128x128xf32, #tpu.memory_space<hbm>>) target(%arg11 : memref<128x128xf32, #tpu.memory_space<vmem>>) target_semaphore(%arg17 : memref<!tpu.dma_semaphore, #tpu.memory_space<semaphore_mem>>)
    %barrier3A = arith.constant 0 : index
    tpu.barrier barrier_id(%barrier3A)
    %add3A_85 = arith.constant 2 : i32
    %add3A_86 = arith.addi %select_n3A, %add3A_85 : i32
    %jit3A_87 = arith.constant 3 : i32
    %div3A_88 = arith.divsi %add3A_86, %jit3A_87 : i32
    %sign3A_89 = arith.constant 0 : i32
    %sign3A_90 = arith.cmpi sgt, %add3A_86, %sign3A_89 : i32
    %sign3A_91 = arith.extui %sign3A_90 : i1 to i32
    %sign3A_92 = arith.constant 0 : i32
    %sign3A_93 = arith.cmpi slt, %add3A_86, %sign3A_92 : i32
    %sign3A_94 = arith.extui %sign3A_93 : i1 to i32
    %sign3A_95 = arith.subi %sign3A_91, %sign3A_94 : i32
    %sign3A_96 = arith.constant 0 : i32
    %sign3A_97 = arith.cmpi sgt, %jit3A_87, %sign3A_96 : i32
    %sign3A_98 = arith.extui %sign3A_97 : i1 to i32
    %sign3A_99 = arith.constant 0 : i32
    %sign3A_100 = arith.cmpi slt, %jit3A_87, %sign3A_99 : i32
    %sign3A_101 = arith.extui %sign3A_100 : i1 to i32
    %sign3A_102 = arith.subi %sign3A_98, %sign3A_101 : i32
    %ne3A_103 = arith.cmpi ne, %sign3A_95, %sign3A_102 : i32
    %rem3A_104 = arith.remsi %add3A_86, %jit3A_87 : i32
    %ne3A_105 = arith.constant 0 : i32
    %ne3A_106 = arith.cmpi ne, %rem3A_104, %ne3A_105 : i32
    %and3A_107 = arith.andi %ne3A_103, %ne3A_106 : i1
    %sub3A_108 = arith.constant 1 : i32
    %sub3A_109 = arith.subi %div3A_88, %sub3A_108 : i32
    %select_n3A_110 = arith.select %and3A_107, %sub3A_109, %div3A_88 : i32
    %while3A = arith.constant 0 : i32
    %while3A_111 = arith.constant 0 : i32
    %while3A_112 = arith.subi %select_n3A_110, %while3A_111 : i32
    %while3A_113 = arith.addi %while3A_111, %while3A_112 : i32
    %while3A_114 = arith.constant 1 : i32
    %while3A_115 = arith.divsi %while3A_112, %while3A_114 : i32
    %while3A_116 = arith.muli %while3A_115, %while3A_114 : i32
    %while3A_117 = arith.addi %while3A_111, %while3A_116 : i32
    %while3A_118 = arith.constant 1 : i32
    scf.for %while3A_244 = %while3A_111 to %while3A_117 step %while3A_118  : i32 {
      %mul3A_245 = arith.constant 3 : i32
      %mul3A_246 = arith.muli %mul3A_245, %while3A_244 : i32
      %add3A_247 = arith.constant 0 : i32
      %add3A_248 = arith.addi %mul3A_246, %add3A_247 : i32
      %lt3A = arith.cmpi slt, %add3A_248, %select_n3A : i32
      %convert_element_type3A_249 = arith.extui %lt3A : i1 to i32
      %cond3A_250 = arith.constant 0 : i32
      %cond3A_251 = arith.cmpi ne, %convert_element_type3A_249, %cond3A_250 : i32
      scf.if %cond3A_251 {
        %mul3A_268 = arith.constant 16 : i32
        %mul3A_269 = arith.muli %mul3A_268, %add3A_248 : i32
        %add3A_270 = arith.addi %add3A, %mul3A_269 : i32
        %mul3A_271 = arith.constant 128 : i32
        %mul3A_272 = arith.muli %add3A_270, %mul3A_271 : i32
        %dma_wait3A = arith.constant 0 : i32
        %dma_wait3A_273 = arith.constant 0 : i32
        %dma_wait3A_274 = tpu.memref_slice %arg6[%dma_wait3A, %dma_wait3A_273] : memref<1x128xi32, #tpu.memory_space<vmem>> -> memref<1x128xi32, #tpu.memory_space<vmem>>
        %dma_wait3A_275 = tpu.memref_squeeze %dma_wait3A_274 : memref<1x128xi32, #tpu.memory_space<vmem>> -> memref<128xi32, #tpu.memory_space<vmem>>
        %dma_wait3A_276 = tpu.memref_slice %arg3[%mul3A_272] : memref<320000xi32, #tpu.memory_space<hbm>> -> memref<128xi32, #tpu.memory_space<hbm>>
        %dma_wait3A_277 = arith.constant 0 : i32
        %dma_wait3A_278 = tpu.memref_slice %arg6[%dma_wait3A, %dma_wait3A_277] : memref<1x128xi32, #tpu.memory_space<vmem>> -> memref<1x128xi32, #tpu.memory_space<vmem>>
        %dma_wait3A_279 = tpu.memref_squeeze %dma_wait3A_278 : memref<1x128xi32, #tpu.memory_space<vmem>> -> memref<128xi32, #tpu.memory_space<vmem>>
        %dma_wait3A_280 = tpu.memref_slice %arg3[%mul3A_272] : memref<320000xi32, #tpu.memory_space<hbm>> -> memref<128xi32, #tpu.memory_space<hbm>>
        tpu.wait_dma2 semaphore(%arg18 : memref<!tpu.dma_semaphore, #tpu.memory_space<semaphore_mem>>) src(%dma_wait3A_280 : memref<128xi32, #tpu.memory_space<hbm>>) dst(%dma_wait3A_279 : memref<128xi32, #tpu.memory_space<vmem>>)
        %mul3A_281 = arith.constant 128 : i32
        %mul3A_282 = arith.muli %add3A_270, %mul3A_281 : i32
        %dma_wait3A_283 = arith.constant 0 : i32
        %dma_wait3A_284 = tpu.memref_slice %arg2[%mul3A_282, %dma_wait3A_283] : memref<320000x128xf32, #tpu.memory_space<hbm>> -> memref<128x128xf32, #tpu.memory_space<hbm>>
        %dma_wait3A_285 = arith.constant 0 : i32
        %dma_wait3A_286 = tpu.memref_slice %arg2[%mul3A_282, %dma_wait3A_285] : memref<320000x128xf32, #tpu.memory_space<hbm>> -> memref<128x128xf32, #tpu.memory_space<hbm>>
        tpu.wait_dma2 semaphore(%arg15 : memref<!tpu.dma_semaphore, #tpu.memory_space<semaphore_mem>>) src(%dma_wait3A_286 : memref<128x128xf32, #tpu.memory_space<hbm>>) dst(%arg9 : memref<128x128xf32, #tpu.memory_space<vmem>>)
        %run_scoped3A = arith.constant 0 : i32
        "tpu.region"() ({
          %run_scoped3A_293 = tpu.sem_alloc : memref<!tpu.dma_semaphore, #tpu.memory_space<semaphore_mem>>
          %dma_start3A_294 = arith.constant 0 : i32
          %dma_start3A_295 = tpu.memref_slice %arg6[%run_scoped3A, %dma_start3A_294] : memref<1x128xi32, #tpu.memory_space<vmem>> -> memref<1x128xi32, #tpu.memory_space<vmem>>
          %dma_start3A_296 = tpu.memref_squeeze %dma_start3A_295 : memref<1x128xi32, #tpu.memory_space<vmem>> -> memref<128xi32, #tpu.memory_space<vmem>>
          %dma_start3A_297 = arith.constant 0 : i32
          %dma_start3A_298 = arith.constant 0 : i32
          %dma_start3A_299 = tpu.memref_slice %arg13[%dma_start3A_297, %dma_start3A_298] : memref<10000x128xf32, #tpu.memory_space<vmem_shared>> -> memref<10000x128xf32, #tpu.memory_space<vmem_shared>>
          tpu.enqueue_indirect_dma source(%arg9 : memref<128x128xf32, #tpu.memory_space<vmem>>) target(%dma_start3A_299 : memref<10000x128xf32, #tpu.memory_space<vmem_shared>>) offsets(%dma_start3A_296 : memref<128xi32, #tpu.memory_space<vmem>>) semaphore(%run_scoped3A_293 : memref<!tpu.dma_semaphore, #tpu.memory_space<semaphore_mem>>) {add = true}
          %dma_wait3A_300 = arith.constant 0 : i32
          %dma_wait3A_301 = tpu.memref_slice %arg6[%run_scoped3A, %dma_wait3A_300] : memref<1x128xi32, #tpu.memory_space<vmem>> -> memref<1x128xi32, #tpu.memory_space<vmem>>
          %dma_wait3A_302 = tpu.memref_squeeze %dma_wait3A_301 : memref<1x128xi32, #tpu.memory_space<vmem>> -> memref<128xi32, #tpu.memory_space<vmem>>
          %dma_wait3A_303 = arith.constant 0 : i32
          %dma_wait3A_304 = arith.constant 0 : i32
          %dma_wait3A_305 = tpu.memref_slice %arg13[%dma_wait3A_303, %dma_wait3A_304] : memref<10000x128xf32, #tpu.memory_space<vmem_shared>> -> memref<10000x128xf32, #tpu.memory_space<vmem_shared>>
          tpu.wait_indirect_dma semaphore(%run_scoped3A_293 : memref<!tpu.dma_semaphore, #tpu.memory_space<semaphore_mem>>) src(%arg9 : memref<128x128xf32, #tpu.memory_space<vmem>>) dst(%dma_wait3A_305 : memref<10000x128xf32, #tpu.memory_space<vmem_shared>>)
          tpu.yield
        }) : () -> ()
        %add3A_287 = arith.constant 3 : i32
        %add3A_288 = arith.addi %add3A_248, %add3A_287 : i32
        %lt3A_289 = arith.cmpi slt, %add3A_288, %select_n3A : i32
        %convert_element_type3A_290 = arith.extui %lt3A_289 : i1 to i32
        %cond3A_291 = arith.constant 0 : i32
        %cond3A_292 = arith.cmpi ne, %convert_element_type3A_290, %cond3A_291 : i32
        scf.if %cond3A_292 {
          %add3A_293 = arith.constant 3 : i32
          %add3A_294 = arith.addi %add3A_248, %add3A_293 : i32
          %mul3A_295 = arith.constant 16 : i32
          %mul3A_296 = arith.muli %mul3A_295, %add3A_294 : i32
          %add3A_297 = arith.addi %add3A, %mul3A_296 : i32
          %mul3A_298 = arith.constant 128 : i32
          %mul3A_299 = arith.muli %add3A_297, %mul3A_298 : i32
          %dma_start3A_300 = arith.constant 0 : i32
          %dma_start3A_301 = arith.constant 0 : i32
          %dma_start3A_302 = tpu.memref_slice %arg6[%dma_start3A_300, %dma_start3A_301] : memref<1x128xi32, #tpu.memory_space<vmem>> -> memref<1x128xi32, #tpu.memory_space<vmem>>
          %dma_start3A_303 = tpu.memref_squeeze %dma_start3A_302 : memref<1x128xi32, #tpu.memory_space<vmem>> -> memref<128xi32, #tpu.memory_space<vmem>>
          %dma_start3A_304 = tpu.memref_slice %arg3[%mul3A_299] : memref<320000xi32, #tpu.memory_space<hbm>> -> memref<128xi32, #tpu.memory_space<hbm>>
          %dma_start3A_305 = arith.constant 0 : i32
          %dma_start3A_306 = tpu.memref_slice %arg6[%dma_start3A_300, %dma_start3A_305] : memref<1x128xi32, #tpu.memory_space<vmem>> -> memref<1x128xi32, #tpu.memory_space<vmem>>
          %dma_start3A_307 = tpu.memref_squeeze %dma_start3A_306 : memref<1x128xi32, #tpu.memory_space<vmem>> -> memref<128xi32, #tpu.memory_space<vmem>>
          %dma_start3A_308 = tpu.memref_slice %arg3[%mul3A_299] : memref<320000xi32, #tpu.memory_space<hbm>> -> memref<128xi32, #tpu.memory_space<hbm>>
          tpu.enqueue_dma source(%dma_start3A_308 : memref<128xi32, #tpu.memory_space<hbm>>) target(%dma_start3A_307 : memref<128xi32, #tpu.memory_space<vmem>>) target_semaphore(%arg18 : memref<!tpu.dma_semaphore, #tpu.memory_space<semaphore_mem>>)
          %mul3A_309 = arith.constant 128 : i32
          %mul3A_310 = arith.muli %add3A_297, %mul3A_309 : i32
          %dma_start3A_311 = arith.constant 0 : i32
          %dma_start3A_312 = tpu.memref_slice %arg2[%mul3A_310, %dma_start3A_311] : memref<320000x128xf32, #tpu.memory_space<hbm>> -> memref<128x128xf32, #tpu.memory_space<hbm>>
          %dma_start3A_313 = arith.constant 0 : i32
          %dma_start3A_314 = tpu.memref_slice %arg2[%mul3A_310, %dma_start3A_313] : memref<320000x128xf32, #tpu.memory_space<hbm>> -> memref<128x128xf32, #tpu.memory_space<hbm>>
          tpu.enqueue_dma source(%dma_start3A_314 : memref<128x128xf32, #tpu.memory_space<hbm>>) target(%arg9 : memref<128x128xf32, #tpu.memory_space<vmem>>) target_semaphore(%arg15 : memref<!tpu.dma_semaphore, #tpu.memory_space<semaphore_mem>>)
        } else {
        }
      } else {
      }
      %mul3A_252 = arith.constant 3 : i32
      %mul3A_253 = arith.muli %mul3A_252, %while3A_244 : i32
      %add3A_254 = arith.constant 1 : i32
      %add3A_255 = arith.addi %mul3A_253, %add3A_254 : i32
      %lt3A_256 = arith.cmpi slt, %add3A_255, %select_n3A : i32
      %convert_element_type3A_257 = arith.extui %lt3A_256 : i1 to i32
      %cond3A_258 = arith.constant 0 : i32
      %cond3A_259 = arith.cmpi ne, %convert_element_type3A_257, %cond3A_258 : i32
      scf.if %cond3A_259 {
        %mul3A_268 = arith.constant 16 : i32
        %mul3A_269 = arith.muli %mul3A_268, %add3A_255 : i32
        %add3A_270 = arith.addi %add3A, %mul3A_269 : i32
        %mul3A_271 = arith.constant 128 : i32
        %mul3A_272 = arith.muli %add3A_270, %mul3A_271 : i32
        %dma_wait3A = arith.constant 0 : i32
        %dma_wait3A_273 = arith.constant 0 : i32
        %dma_wait3A_274 = tpu.memref_slice %arg7[%dma_wait3A, %dma_wait3A_273] : memref<1x128xi32, #tpu.memory_space<vmem>> -> memref<1x128xi32, #tpu.memory_space<vmem>>
        %dma_wait3A_275 = tpu.memref_squeeze %dma_wait3A_274 : memref<1x128xi32, #tpu.memory_space<vmem>> -> memref<128xi32, #tpu.memory_space<vmem>>
        %dma_wait3A_276 = tpu.memref_slice %arg3[%mul3A_272] : memref<320000xi32, #tpu.memory_space<hbm>> -> memref<128xi32, #tpu.memory_space<hbm>>
        %dma_wait3A_277 = arith.constant 0 : i32
        %dma_wait3A_278 = tpu.memref_slice %arg7[%dma_wait3A, %dma_wait3A_277] : memref<1x128xi32, #tpu.memory_space<vmem>> -> memref<1x128xi32, #tpu.memory_space<vmem>>
        %dma_wait3A_279 = tpu.memref_squeeze %dma_wait3A_278 : memref<1x128xi32, #tpu.memory_space<vmem>> -> memref<128xi32, #tpu.memory_space<vmem>>
        %dma_wait3A_280 = tpu.memref_slice %arg3[%mul3A_272] : memref<320000xi32, #tpu.memory_space<hbm>> -> memref<128xi32, #tpu.memory_space<hbm>>
        tpu.wait_dma2 semaphore(%arg19 : memref<!tpu.dma_semaphore, #tpu.memory_space<semaphore_mem>>) src(%dma_wait3A_280 : memref<128xi32, #tpu.memory_space<hbm>>) dst(%dma_wait3A_279 : memref<128xi32, #tpu.memory_space<vmem>>)
        %mul3A_281 = arith.constant 128 : i32
        %mul3A_282 = arith.muli %add3A_270, %mul3A_281 : i32
        %dma_wait3A_283 = arith.constant 0 : i32
        %dma_wait3A_284 = tpu.memref_slice %arg2[%mul3A_282, %dma_wait3A_283] : memref<320000x128xf32, #tpu.memory_space<hbm>> -> memref<128x128xf32, #tpu.memory_space<hbm>>
        %dma_wait3A_285 = arith.constant 0 : i32
        %dma_wait3A_286 = tpu.memref_slice %arg2[%mul3A_282, %dma_wait3A_285] : memref<320000x128xf32, #tpu.memory_space<hbm>> -> memref<128x128xf32, #tpu.memory_space<hbm>>
        tpu.wait_dma2 semaphore(%arg16 : memref<!tpu.dma_semaphore, #tpu.memory_space<semaphore_mem>>) src(%dma_wait3A_286 : memref<128x128xf32, #tpu.memory_space<hbm>>) dst(%arg10 : memref<128x128xf32, #tpu.memory_space<vmem>>)
        %run_scoped3A = arith.constant 0 : i32
        "tpu.region"() ({
          %run_scoped3A_293 = tpu.sem_alloc : memref<!tpu.dma_semaphore, #tpu.memory_space<semaphore_mem>>
          %dma_start3A_294 = arith.constant 0 : i32
          %dma_start3A_295 = tpu.memref_slice %arg7[%run_scoped3A, %dma_start3A_294] : memref<1x128xi32, #tpu.memory_space<vmem>> -> memref<1x128xi32, #tpu.memory_space<vmem>>
          %dma_start3A_296 = tpu.memref_squeeze %dma_start3A_295 : memref<1x128xi32, #tpu.memory_space<vmem>> -> memref<128xi32, #tpu.memory_space<vmem>>
          %dma_start3A_297 = arith.constant 0 : i32
          %dma_start3A_298 = arith.constant 0 : i32
          %dma_start3A_299 = tpu.memref_slice %arg13[%dma_start3A_297, %dma_start3A_298] : memref<10000x128xf32, #tpu.memory_space<vmem_shared>> -> memref<10000x128xf32, #tpu.memory_space<vmem_shared>>
          tpu.enqueue_indirect_dma source(%arg10 : memref<128x128xf32, #tpu.memory_space<vmem>>) target(%dma_start3A_299 : memref<10000x128xf32, #tpu.memory_space<vmem_shared>>) offsets(%dma_start3A_296 : memref<128xi32, #tpu.memory_space<vmem>>) semaphore(%run_scoped3A_293 : memref<!tpu.dma_semaphore, #tpu.memory_space<semaphore_mem>>) {add = true}
          %dma_wait3A_300 = arith.constant 0 : i32
          %dma_wait3A_301 = tpu.memref_slice %arg7[%run_scoped3A, %dma_wait3A_300] : memref<1x128xi32, #tpu.memory_space<vmem>> -> memref<1x128xi32, #tpu.memory_space<vmem>>
          %dma_wait3A_302 = tpu.memref_squeeze %dma_wait3A_301 : memref<1x128xi32, #tpu.memory_space<vmem>> -> memref<128xi32, #tpu.memory_space<vmem>>
          %dma_wait3A_303 = arith.constant 0 : i32
          %dma_wait3A_304 = arith.constant 0 : i32
          %dma_wait3A_305 = tpu.memref_slice %arg13[%dma_wait3A_303, %dma_wait3A_304] : memref<10000x128xf32, #tpu.memory_space<vmem_shared>> -> memref<10000x128xf32, #tpu.memory_space<vmem_shared>>
          tpu.wait_indirect_dma semaphore(%run_scoped3A_293 : memref<!tpu.dma_semaphore, #tpu.memory_space<semaphore_mem>>) src(%arg10 : memref<128x128xf32, #tpu.memory_space<vmem>>) dst(%dma_wait3A_305 : memref<10000x128xf32, #tpu.memory_space<vmem_shared>>)
          tpu.yield
        }) : () -> ()
        %add3A_287 = arith.constant 3 : i32
        %add3A_288 = arith.addi %add3A_255, %add3A_287 : i32
        %lt3A_289 = arith.cmpi slt, %add3A_288, %select_n3A : i32
        %convert_element_type3A_290 = arith.extui %lt3A_289 : i1 to i32
        %cond3A_291 = arith.constant 0 : i32
        %cond3A_292 = arith.cmpi ne, %convert_element_type3A_290, %cond3A_291 : i32
        scf.if %cond3A_292 {
          %add3A_293 = arith.constant 3 : i32
          %add3A_294 = arith.addi %add3A_255, %add3A_293 : i32
          %mul3A_295 = arith.constant 16 : i32
          %mul3A_296 = arith.muli %mul3A_295, %add3A_294 : i32
          %add3A_297 = arith.addi %add3A, %mul3A_296 : i32
          %mul3A_298 = arith.constant 128 : i32
          %mul3A_299 = arith.muli %add3A_297, %mul3A_298 : i32
          %dma_start3A_300 = arith.constant 0 : i32
          %dma_start3A_301 = arith.constant 0 : i32
          %dma_start3A_302 = tpu.memref_slice %arg7[%dma_start3A_300, %dma_start3A_301] : memref<1x128xi32, #tpu.memory_space<vmem>> -> memref<1x128xi32, #tpu.memory_space<vmem>>
          %dma_start3A_303 = tpu.memref_squeeze %dma_start3A_302 : memref<1x128xi32, #tpu.memory_space<vmem>> -> memref<128xi32, #tpu.memory_space<vmem>>
          %dma_start3A_304 = tpu.memref_slice %arg3[%mul3A_299] : memref<320000xi32, #tpu.memory_space<hbm>> -> memref<128xi32, #tpu.memory_space<hbm>>
          %dma_start3A_305 = arith.constant 0 : i32
          %dma_start3A_306 = tpu.memref_slice %arg7[%dma_start3A_300, %dma_start3A_305] : memref<1x128xi32, #tpu.memory_space<vmem>> -> memref<1x128xi32, #tpu.memory_space<vmem>>
          %dma_start3A_307 = tpu.memref_squeeze %dma_start3A_306 : memref<1x128xi32, #tpu.memory_space<vmem>> -> memref<128xi32, #tpu.memory_space<vmem>>
          %dma_start3A_308 = tpu.memref_slice %arg3[%mul3A_299] : memref<320000xi32, #tpu.memory_space<hbm>> -> memref<128xi32, #tpu.memory_space<hbm>>
          tpu.enqueue_dma source(%dma_start3A_308 : memref<128xi32, #tpu.memory_space<hbm>>) target(%dma_start3A_307 : memref<128xi32, #tpu.memory_space<vmem>>) target_semaphore(%arg19 : memref<!tpu.dma_semaphore, #tpu.memory_space<semaphore_mem>>)
          %mul3A_309 = arith.constant 128 : i32
          %mul3A_310 = arith.muli %add3A_297, %mul3A_309 : i32
          %dma_start3A_311 = arith.constant 0 : i32
          %dma_start3A_312 = tpu.memref_slice %arg2[%mul3A_310, %dma_start3A_311] : memref<320000x128xf32, #tpu.memory_space<hbm>> -> memref<128x128xf32, #tpu.memory_space<hbm>>
          %dma_start3A_313 = arith.constant 0 : i32
          %dma_start3A_314 = tpu.memref_slice %arg2[%mul3A_310, %dma_start3A_313] : memref<320000x128xf32, #tpu.memory_space<hbm>> -> memref<128x128xf32, #tpu.memory_space<hbm>>
          tpu.enqueue_dma source(%dma_start3A_314 : memref<128x128xf32, #tpu.memory_space<hbm>>) target(%arg10 : memref<128x128xf32, #tpu.memory_space<vmem>>) target_semaphore(%arg16 : memref<!tpu.dma_semaphore, #tpu.memory_space<semaphore_mem>>)
        } else {
        }
      } else {
      }
      %mul3A_260 = arith.constant 3 : i32
      %mul3A_261 = arith.muli %mul3A_260, %while3A_244 : i32
      %add3A_262 = arith.constant 2 : i32
      %add3A_263 = arith.addi %mul3A_261, %add3A_262 : i32
      %lt3A_264 = arith.cmpi slt, %add3A_263, %select_n3A : i32
      %convert_element_type3A_265 = arith.extui %lt3A_264 : i1 to i32
      %cond3A_266 = arith.constant 0 : i32
      %cond3A_267 = arith.cmpi ne, %convert_element_type3A_265, %cond3A_266 : i32
      scf.if %cond3A_267 {
        %mul3A_268 = arith.constant 16 : i32
        %mul3A_269 = arith.muli %mul3A_268, %add3A_263 : i32
        %add3A_270 = arith.addi %add3A, %mul3A_269 : i32
        %mul3A_271 = arith.constant 128 : i32
        %mul3A_272 = arith.muli %add3A_270, %mul3A_271 : i32
        %dma_wait3A = arith.constant 0 : i32
        %dma_wait3A_273 = arith.constant 0 : i32
        %dma_wait3A_274 = tpu.memref_slice %arg8[%dma_wait3A, %dma_wait3A_273] : memref<1x128xi32, #tpu.memory_space<vmem>> -> memref<1x128xi32, #tpu.memory_space<vmem>>
        %dma_wait3A_275 = tpu.memref_squeeze %dma_wait3A_274 : memref<1x128xi32, #tpu.memory_space<vmem>> -> memref<128xi32, #tpu.memory_space<vmem>>
        %dma_wait3A_276 = tpu.memref_slice %arg3[%mul3A_272] : memref<320000xi32, #tpu.memory_space<hbm>> -> memref<128xi32, #tpu.memory_space<hbm>>
        %dma_wait3A_277 = arith.constant 0 : i32
        %dma_wait3A_278 = tpu.memref_slice %arg8[%dma_wait3A, %dma_wait3A_277] : memref<1x128xi32, #tpu.memory_space<vmem>> -> memref<1x128xi32, #tpu.memory_space<vmem>>
        %dma_wait3A_279 = tpu.memref_squeeze %dma_wait3A_278 : memref<1x128xi32, #tpu.memory_space<vmem>> -> memref<128xi32, #tpu.memory_space<vmem>>
        %dma_wait3A_280 = tpu.memref_slice %arg3[%mul3A_272] : memref<320000xi32, #tpu.memory_space<hbm>> -> memref<128xi32, #tpu.memory_space<hbm>>
        tpu.wait_dma2 semaphore(%arg20 : memref<!tpu.dma_semaphore, #tpu.memory_space<semaphore_mem>>) src(%dma_wait3A_280 : memref<128xi32, #tpu.memory_space<hbm>>) dst(%dma_wait3A_279 : memref<128xi32, #tpu.memory_space<vmem>>)
        %mul3A_281 = arith.constant 128 : i32
        %mul3A_282 = arith.muli %add3A_270, %mul3A_281 : i32
        %dma_wait3A_283 = arith.constant 0 : i32
        %dma_wait3A_284 = tpu.memref_slice %arg2[%mul3A_282, %dma_wait3A_283] : memref<320000x128xf32, #tpu.memory_space<hbm>> -> memref<128x128xf32, #tpu.memory_space<hbm>>
        %dma_wait3A_285 = arith.constant 0 : i32
        %dma_wait3A_286 = tpu.memref_slice %arg2[%mul3A_282, %dma_wait3A_285] : memref<320000x128xf32, #tpu.memory_space<hbm>> -> memref<128x128xf32, #tpu.memory_space<hbm>>
        tpu.wait_dma2 semaphore(%arg17 : memref<!tpu.dma_semaphore, #tpu.memory_space<semaphore_mem>>) src(%dma_wait3A_286 : memref<128x128xf32, #tpu.memory_space<hbm>>) dst(%arg11 : memref<128x128xf32, #tpu.memory_space<vmem>>)
        %run_scoped3A = arith.constant 0 : i32
        "tpu.region"() ({
          %run_scoped3A_293 = tpu.sem_alloc : memref<!tpu.dma_semaphore, #tpu.memory_space<semaphore_mem>>
          %dma_start3A_294 = arith.constant 0 : i32
          %dma_start3A_295 = tpu.memref_slice %arg8[%run_scoped3A, %dma_start3A_294] : memref<1x128xi32, #tpu.memory_space<vmem>> -> memref<1x128xi32, #tpu.memory_space<vmem>>
          %dma_start3A_296 = tpu.memref_squeeze %dma_start3A_295 : memref<1x128xi32, #tpu.memory_space<vmem>> -> memref<128xi32, #tpu.memory_space<vmem>>
          %dma_start3A_297 = arith.constant 0 : i32
          %dma_start3A_298 = arith.constant 0 : i32
          %dma_start3A_299 = tpu.memref_slice %arg13[%dma_start3A_297, %dma_start3A_298] : memref<10000x128xf32, #tpu.memory_space<vmem_shared>> -> memref<10000x128xf32, #tpu.memory_space<vmem_shared>>
          tpu.enqueue_indirect_dma source(%arg11 : memref<128x128xf32, #tpu.memory_space<vmem>>) target(%dma_start3A_299 : memref<10000x128xf32, #tpu.memory_space<vmem_shared>>) offsets(%dma_start3A_296 : memref<128xi32, #tpu.memory_space<vmem>>) semaphore(%run_scoped3A_293 : memref<!tpu.dma_semaphore, #tpu.memory_space<semaphore_mem>>) {add = true}
          %dma_wait3A_300 = arith.constant 0 : i32
          %dma_wait3A_301 = tpu.memref_slice %arg8[%run_scoped3A, %dma_wait3A_300] : memref<1x128xi32, #tpu.memory_space<vmem>> -> memref<1x128xi32, #tpu.memory_space<vmem>>
          %dma_wait3A_302 = tpu.memref_squeeze %dma_wait3A_301 : memref<1x128xi32, #tpu.memory_space<vmem>> -> memref<128xi32, #tpu.memory_space<vmem>>
          %dma_wait3A_303 = arith.constant 0 : i32
          %dma_wait3A_304 = arith.constant 0 : i32
          %dma_wait3A_305 = tpu.memref_slice %arg13[%dma_wait3A_303, %dma_wait3A_304] : memref<10000x128xf32, #tpu.memory_space<vmem_shared>> -> memref<10000x128xf32, #tpu.memory_space<vmem_shared>>
          tpu.wait_indirect_dma semaphore(%run_scoped3A_293 : memref<!tpu.dma_semaphore, #tpu.memory_space<semaphore_mem>>) src(%arg11 : memref<128x128xf32, #tpu.memory_space<vmem>>) dst(%dma_wait3A_305 : memref<10000x128xf32, #tpu.memory_space<vmem_shared>>)
          tpu.yield
        }) : () -> ()
        %add3A_287 = arith.constant 3 : i32
        %add3A_288 = arith.addi %add3A_263, %add3A_287 : i32
        %lt3A_289 = arith.cmpi slt, %add3A_288, %select_n3A : i32
        %convert_element_type3A_290 = arith.extui %lt3A_289 : i1 to i32
        %cond3A_291 = arith.constant 0 : i32
        %cond3A_292 = arith.cmpi ne, %convert_element_type3A_290, %cond3A_291 : i32
        scf.if %cond3A_292 {
          %add3A_293 = arith.constant 3 : i32
          %add3A_294 = arith.addi %add3A_263, %add3A_293 : i32
          %mul3A_295 = arith.constant 16 : i32
          %mul3A_296 = arith.muli %mul3A_295, %add3A_294 : i32
          %add3A_297 = arith.addi %add3A, %mul3A_296 : i32
          %mul3A_298 = arith.constant 128 : i32
          %mul3A_299 = arith.muli %add3A_297, %mul3A_298 : i32
          %dma_start3A_300 = arith.constant 0 : i32
          %dma_start3A_301 = arith.constant 0 : i32
          %dma_start3A_302 = tpu.memref_slice %arg8[%dma_start3A_300, %dma_start3A_301] : memref<1x128xi32, #tpu.memory_space<vmem>> -> memref<1x128xi32, #tpu.memory_space<vmem>>
          %dma_start3A_303 = tpu.memref_squeeze %dma_start3A_302 : memref<1x128xi32, #tpu.memory_space<vmem>> -> memref<128xi32, #tpu.memory_space<vmem>>
          %dma_start3A_304 = tpu.memref_slice %arg3[%mul3A_299] : memref<320000xi32, #tpu.memory_space<hbm>> -> memref<128xi32, #tpu.memory_space<hbm>>
          %dma_start3A_305 = arith.constant 0 : i32
          %dma_start3A_306 = tpu.memref_slice %arg8[%dma_start3A_300, %dma_start3A_305] : memref<1x128xi32, #tpu.memory_space<vmem>> -> memref<1x128xi32, #tpu.memory_space<vmem>>
          %dma_start3A_307 = tpu.memref_squeeze %dma_start3A_306 : memref<1x128xi32, #tpu.memory_space<vmem>> -> memref<128xi32, #tpu.memory_space<vmem>>
          %dma_start3A_308 = tpu.memref_slice %arg3[%mul3A_299] : memref<320000xi32, #tpu.memory_space<hbm>> -> memref<128xi32, #tpu.memory_space<hbm>>
          tpu.enqueue_dma source(%dma_start3A_308 : memref<128xi32, #tpu.memory_space<hbm>>) target(%dma_start3A_307 : memref<128xi32, #tpu.memory_space<vmem>>) target_semaphore(%arg20 : memref<!tpu.dma_semaphore, #tpu.memory_space<semaphore_mem>>)
          %mul3A_309 = arith.constant 128 : i32
          %mul3A_310 = arith.muli %add3A_297, %mul3A_309 : i32
          %dma_start3A_311 = arith.constant 0 : i32
          %dma_start3A_312 = tpu.memref_slice %arg2[%mul3A_310, %dma_start3A_311] : memref<320000x128xf32, #tpu.memory_space<hbm>> -> memref<128x128xf32, #tpu.memory_space<hbm>>
          %dma_start3A_313 = arith.constant 0 : i32
          %dma_start3A_314 = tpu.memref_slice %arg2[%mul3A_310, %dma_start3A_313] : memref<320000x128xf32, #tpu.memory_space<hbm>> -> memref<128x128xf32, #tpu.memory_space<hbm>>
          tpu.enqueue_dma source(%dma_start3A_314 : memref<128x128xf32, #tpu.memory_space<hbm>>) target(%arg11 : memref<128x128xf32, #tpu.memory_space<vmem>>) target_semaphore(%arg17 : memref<!tpu.dma_semaphore, #tpu.memory_space<semaphore_mem>>)
        } else {
        }
      } else {
      }
    }
    %while3A_119 = arith.constant 1 : i32
    scf.for %while3A_244 = %while3A_117 to %while3A_113 step %while3A_119  : i32 {
      %mul3A_245 = arith.constant 3 : i32
      %mul3A_246 = arith.muli %mul3A_245, %while3A_244 : i32
      %add3A_247 = arith.constant 0 : i32
      %add3A_248 = arith.addi %mul3A_246, %add3A_247 : i32
      %lt3A = arith.cmpi slt, %add3A_248, %select_n3A : i32
      %convert_element_type3A_249 = arith.extui %lt3A : i1 to i32
      %cond3A_250 = arith.constant 0 : i32
      %cond3A_251 = arith.cmpi ne, %convert_element_type3A_249, %cond3A_250 : i32
      scf.if %cond3A_251 {
        %mul3A_268 = arith.constant 16 : i32
        %mul3A_269 = arith.muli %mul3A_268, %add3A_248 : i32
        %add3A_270 = arith.addi %add3A, %mul3A_269 : i32
        %mul3A_271 = arith.constant 128 : i32
        %mul3A_272 = arith.muli %add3A_270, %mul3A_271 : i32
        %dma_wait3A = arith.constant 0 : i32
        %dma_wait3A_273 = arith.constant 0 : i32
        %dma_wait3A_274 = tpu.memref_slice %arg6[%dma_wait3A, %dma_wait3A_273] : memref<1x128xi32, #tpu.memory_space<vmem>> -> memref<1x128xi32, #tpu.memory_space<vmem>>
        %dma_wait3A_275 = tpu.memref_squeeze %dma_wait3A_274 : memref<1x128xi32, #tpu.memory_space<vmem>> -> memref<128xi32, #tpu.memory_space<vmem>>
        %dma_wait3A_276 = tpu.memref_slice %arg3[%mul3A_272] : memref<320000xi32, #tpu.memory_space<hbm>> -> memref<128xi32, #tpu.memory_space<hbm>>
        %dma_wait3A_277 = arith.constant 0 : i32
        %dma_wait3A_278 = tpu.memref_slice %arg6[%dma_wait3A, %dma_wait3A_277] : memref<1x128xi32, #tpu.memory_space<vmem>> -> memref<1x128xi32, #tpu.memory_space<vmem>>
        %dma_wait3A_279 = tpu.memref_squeeze %dma_wait3A_278 : memref<1x128xi32, #tpu.memory_space<vmem>> -> memref<128xi32, #tpu.memory_space<vmem>>
        %dma_wait3A_280 = tpu.memref_slice %arg3[%mul3A_272] : memref<320000xi32, #tpu.memory_space<hbm>> -> memref<128xi32, #tpu.memory_space<hbm>>
        tpu.wait_dma2 semaphore(%arg18 : memref<!tpu.dma_semaphore, #tpu.memory_space<semaphore_mem>>) src(%dma_wait3A_280 : memref<128xi32, #tpu.memory_space<hbm>>) dst(%dma_wait3A_279 : memref<128xi32, #tpu.memory_space<vmem>>)
        %mul3A_281 = arith.constant 128 : i32
        %mul3A_282 = arith.muli %add3A_270, %mul3A_281 : i32
        %dma_wait3A_283 = arith.constant 0 : i32
        %dma_wait3A_284 = tpu.memref_slice %arg2[%mul3A_282, %dma_wait3A_283] : memref<320000x128xf32, #tpu.memory_space<hbm>> -> memref<128x128xf32, #tpu.memory_space<hbm>>
        %dma_wait3A_285 = arith.constant 0 : i32
        %dma_wait3A_286 = tpu.memref_slice %arg2[%mul3A_282, %dma_wait3A_285] : memref<320000x128xf32, #tpu.memory_space<hbm>> -> memref<128x128xf32, #tpu.memory_space<hbm>>
        tpu.wait_dma2 semaphore(%arg15 : memref<!tpu.dma_semaphore, #tpu.memory_space<semaphore_mem>>) src(%dma_wait3A_286 : memref<128x128xf32, #tpu.memory_space<hbm>>) dst(%arg9 : memref<128x128xf32, #tpu.memory_space<vmem>>)
        %run_scoped3A = arith.constant 0 : i32
        "tpu.region"() ({
          %run_scoped3A_293 = tpu.sem_alloc : memref<!tpu.dma_semaphore, #tpu.memory_space<semaphore_mem>>
          %dma_start3A_294 = arith.constant 0 : i32
          %dma_start3A_295 = tpu.memref_slice %arg6[%run_scoped3A, %dma_start3A_294] : memref<1x128xi32, #tpu.memory_space<vmem>> -> memref<1x128xi32, #tpu.memory_space<vmem>>
          %dma_start3A_296 = tpu.memref_squeeze %dma_start3A_295 : memref<1x128xi32, #tpu.memory_space<vmem>> -> memref<128xi32, #tpu.memory_space<vmem>>
          %dma_start3A_297 = arith.constant 0 : i32
          %dma_start3A_298 = arith.constant 0 : i32
          %dma_start3A_299 = tpu.memref_slice %arg13[%dma_start3A_297, %dma_start3A_298] : memref<10000x128xf32, #tpu.memory_space<vmem_shared>> -> memref<10000x128xf32, #tpu.memory_space<vmem_shared>>
          tpu.enqueue_indirect_dma source(%arg9 : memref<128x128xf32, #tpu.memory_space<vmem>>) target(%dma_start3A_299 : memref<10000x128xf32, #tpu.memory_space<vmem_shared>>) offsets(%dma_start3A_296 : memref<128xi32, #tpu.memory_space<vmem>>) semaphore(%run_scoped3A_293 : memref<!tpu.dma_semaphore, #tpu.memory_space<semaphore_mem>>) {add = true}
          %dma_wait3A_300 = arith.constant 0 : i32
          %dma_wait3A_301 = tpu.memref_slice %arg6[%run_scoped3A, %dma_wait3A_300] : memref<1x128xi32, #tpu.memory_space<vmem>> -> memref<1x128xi32, #tpu.memory_space<vmem>>
          %dma_wait3A_302 = tpu.memref_squeeze %dma_wait3A_301 : memref<1x128xi32, #tpu.memory_space<vmem>> -> memref<128xi32, #tpu.memory_space<vmem>>
          %dma_wait3A_303 = arith.constant 0 : i32
          %dma_wait3A_304 = arith.constant 0 : i32
          %dma_wait3A_305 = tpu.memref_slice %arg13[%dma_wait3A_303, %dma_wait3A_304] : memref<10000x128xf32, #tpu.memory_space<vmem_shared>> -> memref<10000x128xf32, #tpu.memory_space<vmem_shared>>
          tpu.wait_indirect_dma semaphore(%run_scoped3A_293 : memref<!tpu.dma_semaphore, #tpu.memory_space<semaphore_mem>>) src(%arg9 : memref<128x128xf32, #tpu.memory_space<vmem>>) dst(%dma_wait3A_305 : memref<10000x128xf32, #tpu.memory_space<vmem_shared>>)
          tpu.yield
        }) : () -> ()
        %add3A_287 = arith.constant 3 : i32
        %add3A_288 = arith.addi %add3A_248, %add3A_287 : i32
        %lt3A_289 = arith.cmpi slt, %add3A_288, %select_n3A : i32
        %convert_element_type3A_290 = arith.extui %lt3A_289 : i1 to i32
        %cond3A_291 = arith.constant 0 : i32
        %cond3A_292 = arith.cmpi ne, %convert_element_type3A_290, %cond3A_291 : i32
        scf.if %cond3A_292 {
          %add3A_293 = arith.constant 3 : i32
          %add3A_294 = arith.addi %add3A_248, %add3A_293 : i32
          %mul3A_295 = arith.constant 16 : i32
          %mul3A_296 = arith.muli %mul3A_295, %add3A_294 : i32
          %add3A_297 = arith.addi %add3A, %mul3A_296 : i32
          %mul3A_298 = arith.constant 128 : i32
          %mul3A_299 = arith.muli %add3A_297, %mul3A_298 : i32
          %dma_start3A_300 = arith.constant 0 : i32
          %dma_start3A_301 = arith.constant 0 : i32
          %dma_start3A_302 = tpu.memref_slice %arg6[%dma_start3A_300, %dma_start3A_301] : memref<1x128xi32, #tpu.memory_space<vmem>> -> memref<1x128xi32, #tpu.memory_space<vmem>>
          %dma_start3A_303 = tpu.memref_squeeze %dma_start3A_302 : memref<1x128xi32, #tpu.memory_space<vmem>> -> memref<128xi32, #tpu.memory_space<vmem>>
          %dma_start3A_304 = tpu.memref_slice %arg3[%mul3A_299] : memref<320000xi32, #tpu.memory_space<hbm>> -> memref<128xi32, #tpu.memory_space<hbm>>
          %dma_start3A_305 = arith.constant 0 : i32
          %dma_start3A_306 = tpu.memref_slice %arg6[%dma_start3A_300, %dma_start3A_305] : memref<1x128xi32, #tpu.memory_space<vmem>> -> memref<1x128xi32, #tpu.memory_space<vmem>>
          %dma_start3A_307 = tpu.memref_squeeze %dma_start3A_306 : memref<1x128xi32, #tpu.memory_space<vmem>> -> memref<128xi32, #tpu.memory_space<vmem>>
          %dma_start3A_308 = tpu.memref_slice %arg3[%mul3A_299] : memref<320000xi32, #tpu.memory_space<hbm>> -> memref<128xi32, #tpu.memory_space<hbm>>
          tpu.enqueue_dma source(%dma_start3A_308 : memref<128xi32, #tpu.memory_space<hbm>>) target(%dma_start3A_307 : memref<128xi32, #tpu.memory_space<vmem>>) target_semaphore(%arg18 : memref<!tpu.dma_semaphore, #tpu.memory_space<semaphore_mem>>)
          %mul3A_309 = arith.constant 128 : i32
          %mul3A_310 = arith.muli %add3A_297, %mul3A_309 : i32
          %dma_start3A_311 = arith.constant 0 : i32
          %dma_start3A_312 = tpu.memref_slice %arg2[%mul3A_310, %dma_start3A_311] : memref<320000x128xf32, #tpu.memory_space<hbm>> -> memref<128x128xf32, #tpu.memory_space<hbm>>
          %dma_start3A_313 = arith.constant 0 : i32
          %dma_start3A_314 = tpu.memref_slice %arg2[%mul3A_310, %dma_start3A_313] : memref<320000x128xf32, #tpu.memory_space<hbm>> -> memref<128x128xf32, #tpu.memory_space<hbm>>
          tpu.enqueue_dma source(%dma_start3A_314 : memref<128x128xf32, #tpu.memory_space<hbm>>) target(%arg9 : memref<128x128xf32, #tpu.memory_space<vmem>>) target_semaphore(%arg15 : memref<!tpu.dma_semaphore, #tpu.memory_space<semaphore_mem>>)
        } else {
        }
      } else {
      }
      %mul3A_252 = arith.constant 3 : i32
      %mul3A_253 = arith.muli %mul3A_252, %while3A_244 : i32
      %add3A_254 = arith.constant 1 : i32
      %add3A_255 = arith.addi %mul3A_253, %add3A_254 : i32
      %lt3A_256 = arith.cmpi slt, %add3A_255, %select_n3A : i32
      %convert_element_type3A_257 = arith.extui %lt3A_256 : i1 to i32
      %cond3A_258 = arith.constant 0 : i32
      %cond3A_259 = arith.cmpi ne, %convert_element_type3A_257, %cond3A_258 : i32
      scf.if %cond3A_259 {
        %mul3A_268 = arith.constant 16 : i32
        %mul3A_269 = arith.muli %mul3A_268, %add3A_255 : i32
        %add3A_270 = arith.addi %add3A, %mul3A_269 : i32
        %mul3A_271 = arith.constant 128 : i32
        %mul3A_272 = arith.muli %add3A_270, %mul3A_271 : i32
        %dma_wait3A = arith.constant 0 : i32
        %dma_wait3A_273 = arith.constant 0 : i32
        %dma_wait3A_274 = tpu.memref_slice %arg7[%dma_wait3A, %dma_wait3A_273] : memref<1x128xi32, #tpu.memory_space<vmem>> -> memref<1x128xi32, #tpu.memory_space<vmem>>
        %dma_wait3A_275 = tpu.memref_squeeze %dma_wait3A_274 : memref<1x128xi32, #tpu.memory_space<vmem>> -> memref<128xi32, #tpu.memory_space<vmem>>
        %dma_wait3A_276 = tpu.memref_slice %arg3[%mul3A_272] : memref<320000xi32, #tpu.memory_space<hbm>> -> memref<128xi32, #tpu.memory_space<hbm>>
        %dma_wait3A_277 = arith.constant 0 : i32
        %dma_wait3A_278 = tpu.memref_slice %arg7[%dma_wait3A, %dma_wait3A_277] : memref<1x128xi32, #tpu.memory_space<vmem>> -> memref<1x128xi32, #tpu.memory_space<vmem>>
        %dma_wait3A_279 = tpu.memref_squeeze %dma_wait3A_278 : memref<1x128xi32, #tpu.memory_space<vmem>> -> memref<128xi32, #tpu.memory_space<vmem>>
        %dma_wait3A_280 = tpu.memref_slice %arg3[%mul3A_272] : memref<320000xi32, #tpu.memory_space<hbm>> -> memref<128xi32, #tpu.memory_space<hbm>>
        tpu.wait_dma2 semaphore(%arg19 : memref<!tpu.dma_semaphore, #tpu.memory_space<semaphore_mem>>) src(%dma_wait3A_280 : memref<128xi32, #tpu.memory_space<hbm>>) dst(%dma_wait3A_279 : memref<128xi32, #tpu.memory_space<vmem>>)
        %mul3A_281 = arith.constant 128 : i32
        %mul3A_282 = arith.muli %add3A_270, %mul3A_281 : i32
        %dma_wait3A_283 = arith.constant 0 : i32
        %dma_wait3A_284 = tpu.memref_slice %arg2[%mul3A_282, %dma_wait3A_283] : memref<320000x128xf32, #tpu.memory_space<hbm>> -> memref<128x128xf32, #tpu.memory_space<hbm>>
        %dma_wait3A_285 = arith.constant 0 : i32
        %dma_wait3A_286 = tpu.memref_slice %arg2[%mul3A_282, %dma_wait3A_285] : memref<320000x128xf32, #tpu.memory_space<hbm>> -> memref<128x128xf32, #tpu.memory_space<hbm>>
        tpu.wait_dma2 semaphore(%arg16 : memref<!tpu.dma_semaphore, #tpu.memory_space<semaphore_mem>>) src(%dma_wait3A_286 : memref<128x128xf32, #tpu.memory_space<hbm>>) dst(%arg10 : memref<128x128xf32, #tpu.memory_space<vmem>>)
        %run_scoped3A = arith.constant 0 : i32
        "tpu.region"() ({
          %run_scoped3A_293 = tpu.sem_alloc : memref<!tpu.dma_semaphore, #tpu.memory_space<semaphore_mem>>
          %dma_start3A_294 = arith.constant 0 : i32
          %dma_start3A_295 = tpu.memref_slice %arg7[%run_scoped3A, %dma_start3A_294] : memref<1x128xi32, #tpu.memory_space<vmem>> -> memref<1x128xi32, #tpu.memory_space<vmem>>
          %dma_start3A_296 = tpu.memref_squeeze %dma_start3A_295 : memref<1x128xi32, #tpu.memory_space<vmem>> -> memref<128xi32, #tpu.memory_space<vmem>>
          %dma_start3A_297 = arith.constant 0 : i32
          %dma_start3A_298 = arith.constant 0 : i32
          %dma_start3A_299 = tpu.memref_slice %arg13[%dma_start3A_297, %dma_start3A_298] : memref<10000x128xf32, #tpu.memory_space<vmem_shared>> -> memref<10000x128xf32, #tpu.memory_space<vmem_shared>>
          tpu.enqueue_indirect_dma source(%arg10 : memref<128x128xf32, #tpu.memory_space<vmem>>) target(%dma_start3A_299 : memref<10000x128xf32, #tpu.memory_space<vmem_shared>>) offsets(%dma_start3A_296 : memref<128xi32, #tpu.memory_space<vmem>>) semaphore(%run_scoped3A_293 : memref<!tpu.dma_semaphore, #tpu.memory_space<semaphore_mem>>) {add = true}
          %dma_wait3A_300 = arith.constant 0 : i32
          %dma_wait3A_301 = tpu.memref_slice %arg7[%run_scoped3A, %dma_wait3A_300] : memref<1x128xi32, #tpu.memory_space<vmem>> -> memref<1x128xi32, #tpu.memory_space<vmem>>
          %dma_wait3A_302 = tpu.memref_squeeze %dma_wait3A_301 : memref<1x128xi32, #tpu.memory_space<vmem>> -> memref<128xi32, #tpu.memory_space<vmem>>
          %dma_wait3A_303 = arith.constant 0 : i32
          %dma_wait3A_304 = arith.constant 0 : i32
          %dma_wait3A_305 = tpu.memref_slice %arg13[%dma_wait3A_303, %dma_wait3A_304] : memref<10000x128xf32, #tpu.memory_space<vmem_shared>> -> memref<10000x128xf32, #tpu.memory_space<vmem_shared>>
          tpu.wait_indirect_dma semaphore(%run_scoped3A_293 : memref<!tpu.dma_semaphore, #tpu.memory_space<semaphore_mem>>) src(%arg10 : memref<128x128xf32, #tpu.memory_space<vmem>>) dst(%dma_wait3A_305 : memref<10000x128xf32, #tpu.memory_space<vmem_shared>>)
          tpu.yield
        }) : () -> ()
        %add3A_287 = arith.constant 3 : i32
        %add3A_288 = arith.addi %add3A_255, %add3A_287 : i32
        %lt3A_289 = arith.cmpi slt, %add3A_288, %select_n3A : i32
        %convert_element_type3A_290 = arith.extui %lt3A_289 : i1 to i32
        %cond3A_291 = arith.constant 0 : i32
        %cond3A_292 = arith.cmpi ne, %convert_element_type3A_290, %cond3A_291 : i32
        scf.if %cond3A_292 {
          %add3A_293 = arith.constant 3 : i32
          %add3A_294 = arith.addi %add3A_255, %add3A_293 : i32
          %mul3A_295 = arith.constant 16 : i32
          %mul3A_296 = arith.muli %mul3A_295, %add3A_294 : i32
          %add3A_297 = arith.addi %add3A, %mul3A_296 : i32
          %mul3A_298 = arith.constant 128 : i32
          %mul3A_299 = arith.muli %add3A_297, %mul3A_298 : i32
          %dma_start3A_300 = arith.constant 0 : i32
          %dma_start3A_301 = arith.constant 0 : i32
          %dma_start3A_302 = tpu.memref_slice %arg7[%dma_start3A_300, %dma_start3A_301] : memref<1x128xi32, #tpu.memory_space<vmem>> -> memref<1x128xi32, #tpu.memory_space<vmem>>
          %dma_start3A_303 = tpu.memref_squeeze %dma_start3A_302 : memref<1x128xi32, #tpu.memory_space<vmem>> -> memref<128xi32, #tpu.memory_space<vmem>>
          %dma_start3A_304 = tpu.memref_slice %arg3[%mul3A_299] : memref<320000xi32, #tpu.memory_space<hbm>> -> memref<128xi32, #tpu.memory_space<hbm>>
          %dma_start3A_305 = arith.constant 0 : i32
          %dma_start3A_306 = tpu.memref_slice %arg7[%dma_start3A_300, %dma_start3A_305] : memref<1x128xi32, #tpu.memory_space<vmem>> -> memref<1x128xi32, #tpu.memory_space<vmem>>
          %dma_start3A_307 = tpu.memref_squeeze %dma_start3A_306 : memref<1x128xi32, #tpu.memory_space<vmem>> -> memref<128xi32, #tpu.memory_space<vmem>>
          %dma_start3A_308 = tpu.memref_slice %arg3[%mul3A_299] : memref<320000xi32, #tpu.memory_space<hbm>> -> memref<128xi32, #tpu.memory_space<hbm>>
          tpu.enqueue_dma source(%dma_start3A_308 : memref<128xi32, #tpu.memory_space<hbm>>) target(%dma_start3A_307 : memref<128xi32, #tpu.memory_space<vmem>>) target_semaphore(%arg19 : memref<!tpu.dma_semaphore, #tpu.memory_space<semaphore_mem>>)
          %mul3A_309 = arith.constant 128 : i32
          %mul3A_310 = arith.muli %add3A_297, %mul3A_309 : i32
          %dma_start3A_311 = arith.constant 0 : i32
          %dma_start3A_312 = tpu.memref_slice %arg2[%mul3A_310, %dma_start3A_311] : memref<320000x128xf32, #tpu.memory_space<hbm>> -> memref<128x128xf32, #tpu.memory_space<hbm>>
          %dma_start3A_313 = arith.constant 0 : i32
          %dma_start3A_314 = tpu.memref_slice %arg2[%mul3A_310, %dma_start3A_313] : memref<320000x128xf32, #tpu.memory_space<hbm>> -> memref<128x128xf32, #tpu.memory_space<hbm>>
          tpu.enqueue_dma source(%dma_start3A_314 : memref<128x128xf32, #tpu.memory_space<hbm>>) target(%arg10 : memref<128x128xf32, #tpu.memory_space<vmem>>) target_semaphore(%arg16 : memref<!tpu.dma_semaphore, #tpu.memory_space<semaphore_mem>>)
        } else {
        }
      } else {
      }
      %mul3A_260 = arith.constant 3 : i32
      %mul3A_261 = arith.muli %mul3A_260, %while3A_244 : i32
      %add3A_262 = arith.constant 2 : i32
      %add3A_263 = arith.addi %mul3A_261, %add3A_262 : i32
      %lt3A_264 = arith.cmpi slt, %add3A_263, %select_n3A : i32
      %convert_element_type3A_265 = arith.extui %lt3A_264 : i1 to i32
      %cond3A_266 = arith.constant 0 : i32
      %cond3A_267 = arith.cmpi ne, %convert_element_type3A_265, %cond3A_266 : i32
      scf.if %cond3A_267 {
        %mul3A_268 = arith.constant 16 : i32
        %mul3A_269 = arith.muli %mul3A_268, %add3A_263 : i32
        %add3A_270 = arith.addi %add3A, %mul3A_269 : i32
        %mul3A_271 = arith.constant 128 : i32
        %mul3A_272 = arith.muli %add3A_270, %mul3A_271 : i32
        %dma_wait3A = arith.constant 0 : i32
        %dma_wait3A_273 = arith.constant 0 : i32
        %dma_wait3A_274 = tpu.memref_slice %arg8[%dma_wait3A, %dma_wait3A_273] : memref<1x128xi32, #tpu.memory_space<vmem>> -> memref<1x128xi32, #tpu.memory_space<vmem>>
        %dma_wait3A_275 = tpu.memref_squeeze %dma_wait3A_274 : memref<1x128xi32, #tpu.memory_space<vmem>> -> memref<128xi32, #tpu.memory_space<vmem>>
        %dma_wait3A_276 = tpu.memref_slice %arg3[%mul3A_272] : memref<320000xi32, #tpu.memory_space<hbm>> -> memref<128xi32, #tpu.memory_space<hbm>>
        %dma_wait3A_277 = arith.constant 0 : i32
        %dma_wait3A_278 = tpu.memref_slice %arg8[%dma_wait3A, %dma_wait3A_277] : memref<1x128xi32, #tpu.memory_space<vmem>> -> memref<1x128xi32, #tpu.memory_space<vmem>>
        %dma_wait3A_279 = tpu.memref_squeeze %dma_wait3A_278 : memref<1x128xi32, #tpu.memory_space<vmem>> -> memref<128xi32, #tpu.memory_space<vmem>>
        %dma_wait3A_280 = tpu.memref_slice %arg3[%mul3A_272] : memref<320000xi32, #tpu.memory_space<hbm>> -> memref<128xi32, #tpu.memory_space<hbm>>
        tpu.wait_dma2 semaphore(%arg20 : memref<!tpu.dma_semaphore, #tpu.memory_space<semaphore_mem>>) src(%dma_wait3A_280 : memref<128xi32, #tpu.memory_space<hbm>>) dst(%dma_wait3A_279 : memref<128xi32, #tpu.memory_space<vmem>>)
        %mul3A_281 = arith.constant 128 : i32
        %mul3A_282 = arith.muli %add3A_270, %mul3A_281 : i32
        %dma_wait3A_283 = arith.constant 0 : i32
        %dma_wait3A_284 = tpu.memref_slice %arg2[%mul3A_282, %dma_wait3A_283] : memref<320000x128xf32, #tpu.memory_space<hbm>> -> memref<128x128xf32, #tpu.memory_space<hbm>>
        %dma_wait3A_285 = arith.constant 0 : i32
        %dma_wait3A_286 = tpu.memref_slice %arg2[%mul3A_282, %dma_wait3A_285] : memref<320000x128xf32, #tpu.memory_space<hbm>> -> memref<128x128xf32, #tpu.memory_space<hbm>>
        tpu.wait_dma2 semaphore(%arg17 : memref<!tpu.dma_semaphore, #tpu.memory_space<semaphore_mem>>) src(%dma_wait3A_286 : memref<128x128xf32, #tpu.memory_space<hbm>>) dst(%arg11 : memref<128x128xf32, #tpu.memory_space<vmem>>)
        %run_scoped3A = arith.constant 0 : i32
        "tpu.region"() ({
          %run_scoped3A_293 = tpu.sem_alloc : memref<!tpu.dma_semaphore, #tpu.memory_space<semaphore_mem>>
          %dma_start3A_294 = arith.constant 0 : i32
          %dma_start3A_295 = tpu.memref_slice %arg8[%run_scoped3A, %dma_start3A_294] : memref<1x128xi32, #tpu.memory_space<vmem>> -> memref<1x128xi32, #tpu.memory_space<vmem>>
          %dma_start3A_296 = tpu.memref_squeeze %dma_start3A_295 : memref<1x128xi32, #tpu.memory_space<vmem>> -> memref<128xi32, #tpu.memory_space<vmem>>
          %dma_start3A_297 = arith.constant 0 : i32
          %dma_start3A_298 = arith.constant 0 : i32
          %dma_start3A_299 = tpu.memref_slice %arg13[%dma_start3A_297, %dma_start3A_298] : memref<10000x128xf32, #tpu.memory_space<vmem_shared>> -> memref<10000x128xf32, #tpu.memory_space<vmem_shared>>
          tpu.enqueue_indirect_dma source(%arg11 : memref<128x128xf32, #tpu.memory_space<vmem>>) target(%dma_start3A_299 : memref<10000x128xf32, #tpu.memory_space<vmem_shared>>) offsets(%dma_start3A_296 : memref<128xi32, #tpu.memory_space<vmem>>) semaphore(%run_scoped3A_293 : memref<!tpu.dma_semaphore, #tpu.memory_space<semaphore_mem>>) {add = true}
          %dma_wait3A_300 = arith.constant 0 : i32
          %dma_wait3A_301 = tpu.memref_slice %arg8[%run_scoped3A, %dma_wait3A_300] : memref<1x128xi32, #tpu.memory_space<vmem>> -> memref<1x128xi32, #tpu.memory_space<vmem>>
          %dma_wait3A_302 = tpu.memref_squeeze %dma_wait3A_301 : memref<1x128xi32, #tpu.memory_space<vmem>> -> memref<128xi32, #tpu.memory_space<vmem>>
          %dma_wait3A_303 = arith.constant 0 : i32
          %dma_wait3A_304 = arith.constant 0 : i32
          %dma_wait3A_305 = tpu.memref_slice %arg13[%dma_wait3A_303, %dma_wait3A_304] : memref<10000x128xf32, #tpu.memory_space<vmem_shared>> -> memref<10000x128xf32, #tpu.memory_space<vmem_shared>>
          tpu.wait_indirect_dma semaphore(%run_scoped3A_293 : memref<!tpu.dma_semaphore, #tpu.memory_space<semaphore_mem>>) src(%arg11 : memref<128x128xf32, #tpu.memory_space<vmem>>) dst(%dma_wait3A_305 : memref<10000x128xf32, #tpu.memory_space<vmem_shared>>)
          tpu.yield
        }) : () -> ()
        %add3A_287 = arith.constant 3 : i32
        %add3A_288 = arith.addi %add3A_263, %add3A_287 : i32
        %lt3A_289 = arith.cmpi slt, %add3A_288, %select_n3A : i32
        %convert_element_type3A_290 = arith.extui %lt3A_289 : i1 to i32
        %cond3A_291 = arith.constant 0 : i32
        %cond3A_292 = arith.cmpi ne, %convert_element_type3A_290, %cond3A_291 : i32
        scf.if %cond3A_292 {
          %add3A_293 = arith.constant 3 : i32
          %add3A_294 = arith.addi %add3A_263, %add3A_293 : i32
          %mul3A_295 = arith.constant 16 : i32
          %mul3A_296 = arith.muli %mul3A_295, %add3A_294 : i32
          %add3A_297 = arith.addi %add3A, %mul3A_296 : i32
          %mul3A_298 = arith.constant 128 : i32
          %mul3A_299 = arith.muli %add3A_297, %mul3A_298 : i32
          %dma_start3A_300 = arith.constant 0 : i32
          %dma_start3A_301 = arith.constant 0 : i32
          %dma_start3A_302 = tpu.memref_slice %arg8[%dma_start3A_300, %dma_start3A_301] : memref<1x128xi32, #tpu.memory_space<vmem>> -> memref<1x128xi32, #tpu.memory_space<vmem>>
          %dma_start3A_303 = tpu.memref_squeeze %dma_start3A_302 : memref<1x128xi32, #tpu.memory_space<vmem>> -> memref<128xi32, #tpu.memory_space<vmem>>
          %dma_start3A_304 = tpu.memref_slice %arg3[%mul3A_299] : memref<320000xi32, #tpu.memory_space<hbm>> -> memref<128xi32, #tpu.memory_space<hbm>>
          %dma_start3A_305 = arith.constant 0 : i32
          %dma_start3A_306 = tpu.memref_slice %arg8[%dma_start3A_300, %dma_start3A_305] : memref<1x128xi32, #tpu.memory_space<vmem>> -> memref<1x128xi32, #tpu.memory_space<vmem>>
          %dma_start3A_307 = tpu.memref_squeeze %dma_start3A_306 : memref<1x128xi32, #tpu.memory_space<vmem>> -> memref<128xi32, #tpu.memory_space<vmem>>
          %dma_start3A_308 = tpu.memref_slice %arg3[%mul3A_299] : memref<320000xi32, #tpu.memory_space<hbm>> -> memref<128xi32, #tpu.memory_space<hbm>>
          tpu.enqueue_dma source(%dma_start3A_308 : memref<128xi32, #tpu.memory_space<hbm>>) target(%dma_start3A_307 : memref<128xi32, #tpu.memory_space<vmem>>) target_semaphore(%arg20 : memref<!tpu.dma_semaphore, #tpu.memory_space<semaphore_mem>>)
          %mul3A_309 = arith.constant 128 : i32
          %mul3A_310 = arith.muli %add3A_297, %mul3A_309 : i32
          %dma_start3A_311 = arith.constant 0 : i32
          %dma_start3A_312 = tpu.memref_slice %arg2[%mul3A_310, %dma_start3A_311] : memref<320000x128xf32, #tpu.memory_space<hbm>> -> memref<128x128xf32, #tpu.memory_space<hbm>>
          %dma_start3A_313 = arith.constant 0 : i32
          %dma_start3A_314 = tpu.memref_slice %arg2[%mul3A_310, %dma_start3A_313] : memref<320000x128xf32, #tpu.memory_space<hbm>> -> memref<128x128xf32, #tpu.memory_space<hbm>>
          tpu.enqueue_dma source(%dma_start3A_314 : memref<128x128xf32, #tpu.memory_space<hbm>>) target(%arg11 : memref<128x128xf32, #tpu.memory_space<vmem>>) target_semaphore(%arg17 : memref<!tpu.dma_semaphore, #tpu.memory_space<semaphore_mem>>)
        } else {
        }
      } else {
      }
    }
    "tpu.region"() ({
      %run_scoped3A = tpu.sem_alloc : memref<!tpu.dma_semaphore, #tpu.memory_space<semaphore_mem>>
      %dma_start3A_244 = arith.constant 160000 : i32
      %dma_start3A_245 = tpu.memref_slice %arg3[%dma_start3A_244] : memref<320000xi32, #tpu.memory_space<hbm>> -> memref<16xi32, #tpu.memory_space<hbm>>
      %dma_start3A_246 = arith.constant 160000 : i32
      %dma_start3A_247 = tpu.memref_slice %arg3[%dma_start3A_246] : memref<320000xi32, #tpu.memory_space<hbm>> -> memref<16xi32, #tpu.memory_space<hbm>>
      tpu.enqueue_dma source(%dma_start3A_247 : memref<16xi32, #tpu.memory_space<hbm>>) target(%arg12 : memref<16xi32, #tpu.memory_space<vmem>>) target_semaphore(%run_scoped3A : memref<!tpu.dma_semaphore, #tpu.memory_space<semaphore_mem>>)
      %dma_wait3A = arith.constant 160000 : i32
      %dma_wait3A_248 = tpu.memref_slice %arg3[%dma_wait3A] : memref<320000xi32, #tpu.memory_space<hbm>> -> memref<16xi32, #tpu.memory_space<hbm>>
      %dma_wait3A_249 = arith.constant 160000 : i32
      %dma_wait3A_250 = tpu.memref_slice %arg3[%dma_wait3A_249] : memref<320000xi32, #tpu.memory_space<hbm>> -> memref<16xi32, #tpu.memory_space<hbm>>
      tpu.wait_dma2 semaphore(%run_scoped3A : memref<!tpu.dma_semaphore, #tpu.memory_space<semaphore_mem>>) src(%dma_wait3A_250 : memref<16xi32, #tpu.memory_space<hbm>>) dst(%arg12 : memref<16xi32, #tpu.memory_space<vmem>>)
      tpu.yield
    }) : () -> ()
    %get3A = arith.constant 0 : index
    %get3A_120 = tpu.vector_load %arg12[%get3A] {strides = array<i32>} : memref<16xi32, #tpu.memory_space<vmem>>, vector<16xi32>,
    %get3A_121 = vector.shape_cast %get3A_120 : vector<16xi32> to vector<16xi32>
    %slice3A = vector.extract_strided_slice %get3A_121 {offsets = [0], sizes = [1], strides = [1]} : vector<16xi32> to vector<1xi32>
    %squeeze3A = vector.extract %slice3A[0] : i32 from vector<1xi32>
    %jit3A_122 = arith.constant 8 : i32
    %div3A_123 = arith.divsi %squeeze3A, %jit3A_122 : i32
    %sign3A_124 = arith.constant 0 : i32
    %sign3A_125 = arith.cmpi sgt, %squeeze3A, %sign3A_124 : i32
    %sign3A_126 = arith.extui %sign3A_125 : i1 to i32
    %sign3A_127 = arith.constant 0 : i32
    %sign3A_128 = arith.cmpi slt, %squeeze3A, %sign3A_127 : i32
    %sign3A_129 = arith.extui %sign3A_128 : i1 to i32
    %sign3A_130 = arith.subi %sign3A_126, %sign3A_129 : i32
    %sign3A_131 = arith.constant 0 : i32
    %sign3A_132 = arith.cmpi sgt, %jit3A_122, %sign3A_131 : i32
    %sign3A_133 = arith.extui %sign3A_132 : i1 to i32
    %sign3A_134 = arith.constant 0 : i32
    %sign3A_135 = arith.cmpi slt, %jit3A_122, %sign3A_134 : i32
    %sign3A_136 = arith.extui %sign3A_135 : i1 to i32
    %sign3A_137 = arith.subi %sign3A_133, %sign3A_136 : i32
    %ne3A_138 = arith.cmpi ne, %sign3A_130, %sign3A_137 : i32
    %rem3A_139 = arith.remsi %squeeze3A, %jit3A_122 : i32
    %ne3A_140 = arith.constant 0 : i32
    %ne3A_141 = arith.cmpi ne, %rem3A_139, %ne3A_140 : i32
    %and3A_142 = arith.andi %ne3A_138, %ne3A_141 : i1
    %sub3A_143 = arith.constant 1 : i32
    %sub3A_144 = arith.subi %div3A_123, %sub3A_143 : i32
    %select_n3A_145 = arith.select %and3A_142, %sub3A_144, %div3A_123 : i32
    %add3A_146 = arith.constant 1 : i32
    %add3A_147 = arith.addi %select_n3A_145, %add3A_146 : i32
    %mul3A_148 = arith.constant 8 : i32
    %mul3A_149 = arith.muli %add3A_147, %mul3A_148 : i32
    %eq3A_150 = arith.constant 0 : i32
    %eq3A_151 = arith.cmpi eq, %arg0, %eq3A_150 : i32
    %convert_element_type3A_152 = arith.extui %eq3A_151 : i1 to i32
    %cond3A_153 = arith.constant 0 : i32
    %cond3A_154 = arith.cmpi ne, %convert_element_type3A_152, %cond3A_153 : i32
    scf.if %cond3A_154 {
      %scan3A = arith.constant 1 : i32
      %scan3A_244 = arith.constant 0 : i32
      %scan3A_245 = arith.constant 79 : i32
      %scan3A_246 = arith.addi %scan3A_244, %scan3A_245 : i32
      %scan3A_247 = arith.constant 1 : i32
      %scan3A_248 = scf.for %scan3A_250 = %scan3A_244 to %scan3A_246 step %scan3A_247 iter_args(%scan3A_251 = %scan3A) -> (i32)  : i32 {
        %add3A_252 = arith.constant 1250 : i32
        %add3A_253 = arith.addi %add3A_252, %arg1 : i32
        %mul3A_254 = arith.constant 16 : i32
        %mul3A_255 = arith.muli %mul3A_254, %scan3A_250 : i32
        %add3A_256 = arith.addi %add3A_253, %mul3A_255 : i32
        %ne3A_257 = arith.constant 0 : i32
        %ne3A_258 = arith.cmpi ne, %scan3A_251, %ne3A_257 : i32
        %lt3A = arith.constant 2500 : i32
        %lt3A_259 = arith.cmpi slt, %add3A_256, %lt3A : i32
        %and3A_260 = arith.andi %ne3A_258, %lt3A_259 : i1
        %convert_element_type3A_261 = arith.extui %and3A_260 : i1 to i32
        %cond3A_262 = arith.constant 0 : i32
        %cond3A_263 = arith.cmpi ne, %convert_element_type3A_261, %cond3A_262 : i32
        scf.if %cond3A_263 {
          %mul3A_272 = arith.constant 128 : i32
          %mul3A_273 = arith.muli %add3A_256, %mul3A_272 : i32
          %run_scoped3A = arith.constant 0 : i32
          "tpu.region"() ({
            %run_scoped3A_287 = tpu.sem_alloc : memref<!tpu.dma_semaphore, #tpu.memory_space<semaphore_mem>>
            %dma_start3A_288 = arith.constant 0 : i32
            %dma_start3A_289 = tpu.memref_slice %arg6[%run_scoped3A, %dma_start3A_288] : memref<1x128xi32, #tpu.memory_space<vmem>> -> memref<1x128xi32, #tpu.memory_space<vmem>>
            %dma_start3A_290 = tpu.memref_squeeze %dma_start3A_289 : memref<1x128xi32, #tpu.memory_space<vmem>> -> memref<128xi32, #tpu.memory_space<vmem>>
            %dma_start3A_291 = tpu.memref_slice %arg3[%mul3A_273] : memref<320000xi32, #tpu.memory_space<hbm>> -> memref<128xi32, #tpu.memory_space<hbm>>
            %dma_start3A_292 = arith.constant 0 : i32
            %dma_start3A_293 = tpu.memref_slice %arg6[%run_scoped3A, %dma_start3A_292] : memref<1x128xi32, #tpu.memory_space<vmem>> -> memref<1x128xi32, #tpu.memory_space<vmem>>
            %dma_start3A_294 = tpu.memref_squeeze %dma_start3A_293 : memref<1x128xi32, #tpu.memory_space<vmem>> -> memref<128xi32, #tpu.memory_space<vmem>>
            %dma_start3A_295 = tpu.memref_slice %arg3[%mul3A_273] : memref<320000xi32, #tpu.memory_space<hbm>> -> memref<128xi32, #tpu.memory_space<hbm>>
            tpu.enqueue_dma source(%dma_start3A_295 : memref<128xi32, #tpu.memory_space<hbm>>) target(%dma_start3A_294 : memref<128xi32, #tpu.memory_space<vmem>>) target_semaphore(%run_scoped3A_287 : memref<!tpu.dma_semaphore, #tpu.memory_space<semaphore_mem>>)
            %dma_wait3A = arith.constant 0 : i32
            %dma_wait3A_296 = tpu.memref_slice %arg6[%run_scoped3A, %dma_wait3A] : memref<1x128xi32, #tpu.memory_space<vmem>> -> memref<1x128xi32, #tpu.memory_space<vmem>>
            %dma_wait3A_297 = tpu.memref_squeeze %dma_wait3A_296 : memref<1x128xi32, #tpu.memory_space<vmem>> -> memref<128xi32, #tpu.memory_space<vmem>>
            %dma_wait3A_298 = tpu.memref_slice %arg3[%mul3A_273] : memref<320000xi32, #tpu.memory_space<hbm>> -> memref<128xi32, #tpu.memory_space<hbm>>
            %dma_wait3A_299 = arith.constant 0 : i32
            %dma_wait3A_300 = tpu.memref_slice %arg6[%run_scoped3A, %dma_wait3A_299] : memref<1x128xi32, #tpu.memory_space<vmem>> -> memref<1x128xi32, #tpu.memory_space<vmem>>
            %dma_wait3A_301 = tpu.memref_squeeze %dma_wait3A_300 : memref<1x128xi32, #tpu.memory_space<vmem>> -> memref<128xi32, #tpu.memory_space<vmem>>
            %dma_wait3A_302 = tpu.memref_slice %arg3[%mul3A_273] : memref<320000xi32, #tpu.memory_space<hbm>> -> memref<128xi32, #tpu.memory_space<hbm>>
            tpu.wait_dma2 semaphore(%run_scoped3A_287 : memref<!tpu.dma_semaphore, #tpu.memory_space<semaphore_mem>>) src(%dma_wait3A_302 : memref<128xi32, #tpu.memory_space<hbm>>) dst(%dma_wait3A_301 : memref<128xi32, #tpu.memory_space<vmem>>)
            tpu.yield
          }) : () -> ()
          %get3A_274 = arith.constant 0 : i32
          %get3A_275 = arith.index_cast %get3A_274 : i32 to index
          %get3A_276 = arith.constant 0 : index
          %get3A_277 = tpu.vector_load %arg6[%get3A_275, %get3A_276] {strides = array<i32>} : memref<1x128xi32, #tpu.memory_space<vmem>>, vector<1x128xi32>,
          %get3A_278 = vector.shape_cast %get3A_277 : vector<1x128xi32> to vector<128xi32>
          %slice3A_279 = vector.extract_strided_slice %get3A_278 {offsets = [0], sizes = [1], strides = [1]} : vector<128xi32> to vector<1xi32>
          %squeeze3A_280 = vector.extract %slice3A_279[0] : i32 from vector<1xi32>
          %swap3A = arith.constant 0 : i32
          %swap3A_281 = arith.index_cast %swap3A : i32 to index
          %swap3A_282 = memref.load %arg14[%swap3A_281] : memref<1xi32, #tpu.memory_space<smem>>
          memref.store %squeeze3A_280, %arg14[%swap3A_281] : memref<1xi32, #tpu.memory_space<smem>>
          %lt3A_283 = arith.cmpi slt, %squeeze3A_280, %mul3A_149 : i32
          %convert_element_type3A_284 = arith.extui %lt3A_283 : i1 to i32
          %cond3A_285 = arith.constant 0 : i32
          %cond3A_286 = arith.cmpi ne, %convert_element_type3A_284, %cond3A_285 : i32
          scf.if %cond3A_286 {
            %mul3A_287 = arith.constant 128 : i32
            %mul3A_288 = arith.muli %add3A_256, %mul3A_287 : i32
            "tpu.region"() ({
              %run_scoped3A_290 = tpu.sem_alloc : memref<!tpu.dma_semaphore, #tpu.memory_space<semaphore_mem>>
              %dma_start3A_291 = arith.constant 0 : i32
              %dma_start3A_292 = arith.constant 0 : i32
              %dma_start3A_293 = tpu.memref_slice %arg9[%dma_start3A_291, %dma_start3A_292] : memref<128x128xf32, #tpu.memory_space<vmem>> -> memref<128x128xf32, #tpu.memory_space<vmem>>
              %dma_start3A_294 = arith.constant 0 : i32
              %dma_start3A_295 = tpu.memref_slice %arg2[%mul3A_288, %dma_start3A_294] : memref<320000x128xf32, #tpu.memory_space<hbm>> -> memref<128x128xf32, #tpu.memory_space<hbm>>
              %dma_start3A_296 = arith.constant 0 : i32
              %dma_start3A_297 = arith.constant 0 : i32
              %dma_start3A_298 = tpu.memref_slice %arg9[%dma_start3A_296, %dma_start3A_297] : memref<128x128xf32, #tpu.memory_space<vmem>> -> memref<128x128xf32, #tpu.memory_space<vmem>>
              %dma_start3A_299 = arith.constant 0 : i32
              %dma_start3A_300 = tpu.memref_slice %arg2[%mul3A_288, %dma_start3A_299] : memref<320000x128xf32, #tpu.memory_space<hbm>> -> memref<128x128xf32, #tpu.memory_space<hbm>>
              tpu.enqueue_dma source(%dma_start3A_300 : memref<128x128xf32, #tpu.memory_space<hbm>>) target(%dma_start3A_298 : memref<128x128xf32, #tpu.memory_space<vmem>>) target_semaphore(%run_scoped3A_290 : memref<!tpu.dma_semaphore, #tpu.memory_space<semaphore_mem>>)
              %dma_wait3A = arith.constant 0 : i32
              %dma_wait3A_301 = arith.constant 0 : i32
              %dma_wait3A_302 = tpu.memref_slice %arg9[%dma_wait3A, %dma_wait3A_301] : memref<128x128xf32, #tpu.memory_space<vmem>> -> memref<128x128xf32, #tpu.memory_space<vmem>>
              %dma_wait3A_303 = arith.constant 0 : i32
              %dma_wait3A_304 = tpu.memref_slice %arg2[%mul3A_288, %dma_wait3A_303] : memref<320000x128xf32, #tpu.memory_space<hbm>> -> memref<128x128xf32, #tpu.memory_space<hbm>>
              %dma_wait3A_305 = arith.constant 0 : i32
              %dma_wait3A_306 = arith.constant 0 : i32
              %dma_wait3A_307 = tpu.memref_slice %arg9[%dma_wait3A_305, %dma_wait3A_306] : memref<128x128xf32, #tpu.memory_space<vmem>> -> memref<128x128xf32, #tpu.memory_space<vmem>>
              %dma_wait3A_308 = arith.constant 0 : i32
              %dma_wait3A_309 = tpu.memref_slice %arg2[%mul3A_288, %dma_wait3A_308] : memref<320000x128xf32, #tpu.memory_space<hbm>> -> memref<128x128xf32, #tpu.memory_space<hbm>>
              tpu.wait_dma2 semaphore(%run_scoped3A_290 : memref<!tpu.dma_semaphore, #tpu.memory_space<semaphore_mem>>) src(%dma_wait3A_309 : memref<128x128xf32, #tpu.memory_space<hbm>>) dst(%dma_wait3A_307 : memref<128x128xf32, #tpu.memory_space<vmem>>)
              tpu.yield
            }) : () -> ()
            %run_scoped3A_289 = arith.constant 0 : i32
            "tpu.region"() ({
              %run_scoped3A_290 = tpu.sem_alloc : memref<!tpu.dma_semaphore, #tpu.memory_space<semaphore_mem>>
              %dma_start3A_291 = arith.constant 0 : i32
              %dma_start3A_292 = arith.constant 0 : i32
              %dma_start3A_293 = tpu.memref_slice %arg9[%dma_start3A_291, %dma_start3A_292] : memref<128x128xf32, #tpu.memory_space<vmem>> -> memref<128x128xf32, #tpu.memory_space<vmem>>
              %dma_start3A_294 = arith.constant 0 : i32
              %dma_start3A_295 = tpu.memref_slice %arg6[%run_scoped3A_289, %dma_start3A_294] : memref<1x128xi32, #tpu.memory_space<vmem>> -> memref<1x128xi32, #tpu.memory_space<vmem>>
              %dma_start3A_296 = tpu.memref_squeeze %dma_start3A_295 : memref<1x128xi32, #tpu.memory_space<vmem>> -> memref<128xi32, #tpu.memory_space<vmem>>
              %dma_start3A_297 = arith.constant 0 : i32
              %dma_start3A_298 = arith.constant 0 : i32
              %dma_start3A_299 = tpu.memref_slice %arg13[%dma_start3A_297, %dma_start3A_298] : memref<10000x128xf32, #tpu.memory_space<vmem_shared>> -> memref<10000x128xf32, #tpu.memory_space<vmem_shared>>
              tpu.enqueue_indirect_dma source(%dma_start3A_293 : memref<128x128xf32, #tpu.memory_space<vmem>>) target(%dma_start3A_299 : memref<10000x128xf32, #tpu.memory_space<vmem_shared>>) offsets(%dma_start3A_296 : memref<128xi32, #tpu.memory_space<vmem>>) semaphore(%run_scoped3A_290 : memref<!tpu.dma_semaphore, #tpu.memory_space<semaphore_mem>>) {add = true}
              %dma_wait3A = arith.constant 0 : i32
              %dma_wait3A_300 = arith.constant 0 : i32
              %dma_wait3A_301 = tpu.memref_slice %arg9[%dma_wait3A, %dma_wait3A_300] : memref<128x128xf32, #tpu.memory_space<vmem>> -> memref<128x128xf32, #tpu.memory_space<vmem>>
              %dma_wait3A_302 = arith.constant 0 : i32
              %dma_wait3A_303 = tpu.memref_slice %arg6[%run_scoped3A_289, %dma_wait3A_302] : memref<1x128xi32, #tpu.memory_space<vmem>> -> memref<1x128xi32, #tpu.memory_space<vmem>>
              %dma_wait3A_304 = tpu.memref_squeeze %dma_wait3A_303 : memref<1x128xi32, #tpu.memory_space<vmem>> -> memref<128xi32, #tpu.memory_space<vmem>>
              %dma_wait3A_305 = arith.constant 0 : i32
              %dma_wait3A_306 = arith.constant 0 : i32
              %dma_wait3A_307 = tpu.memref_slice %arg13[%dma_wait3A_305, %dma_wait3A_306] : memref<10000x128xf32, #tpu.memory_space<vmem_shared>> -> memref<10000x128xf32, #tpu.memory_space<vmem_shared>>
              tpu.wait_indirect_dma semaphore(%run_scoped3A_290 : memref<!tpu.dma_semaphore, #tpu.memory_space<semaphore_mem>>) src(%dma_wait3A_301 : memref<128x128xf32, #tpu.memory_space<vmem>>) dst(%dma_wait3A_307 : memref<10000x128xf32, #tpu.memory_space<vmem_shared>>)
              tpu.yield
            }) : () -> ()
          } else {
          }
        } else {
        }
        %get3A_264 = arith.constant 0 : i32
        %get3A_265 = arith.index_cast %get3A_264 : i32 to index
        %get3A_266 = memref.load %arg14[%get3A_265] : memref<1xi32, #tpu.memory_space<smem>>
        %lt3A_267 = arith.cmpi slt, %get3A_266, %mul3A_149 : i32
        %and3A_268 = arith.andi %and3A_260, %lt3A_267 : i1
        %jit3A_269 = arith.constant 1 : i32
        %jit3A_270 = arith.constant 0 : i32
        %select_n3A_271 = arith.select %and3A_268, %jit3A_269, %jit3A_270 : i32
        scf.yield %select_n3A_271 : i32
      }
      %scan3A_249 = arith.constant 79 : i32
    } else {
    }
    %barrier3A_155 = arith.constant 0 : index
    tpu.barrier barrier_id(%barrier3A_155)
    %eq3A_156 = arith.constant 0 : i32
    %eq3A_157 = arith.cmpi eq, %arg0, %eq3A_156 : i32
    %jit3A_158 = arith.constant 0 : i32
    %select_n3A_159 = arith.select %eq3A_157, %jit3A_158, %mul3A_149 : i32
    %eq3A_160 = arith.constant 0 : i32
    %eq3A_161 = arith.cmpi eq, %arg0, %eq3A_160 : i32
    %sub3A_162 = arith.constant 10000 : i32
    %sub3A_163 = arith.subi %sub3A_162, %mul3A_149 : i32
    %select_n3A_164 = arith.select %eq3A_161, %mul3A_149, %sub3A_163 : i32
    %jit3A_165 = arith.constant 64 : i32
    %div3A_166 = arith.divsi %select_n3A_164, %jit3A_165 : i32
    %sign3A_167 = arith.constant 0 : i32
    %sign3A_168 = arith.cmpi sgt, %select_n3A_164, %sign3A_167 : i32
    %sign3A_169 = arith.extui %sign3A_168 : i1 to i32
    %sign3A_170 = arith.constant 0 : i32
    %sign3A_171 = arith.cmpi slt, %select_n3A_164, %sign3A_170 : i32
    %sign3A_172 = arith.extui %sign3A_171 : i1 to i32
    %sign3A_173 = arith.subi %sign3A_169, %sign3A_172 : i32
    %sign3A_174 = arith.constant 0 : i32
    %sign3A_175 = arith.cmpi sgt, %jit3A_165, %sign3A_174 : i32
    %sign3A_176 = arith.extui %sign3A_175 : i1 to i32
    %sign3A_177 = arith.constant 0 : i32
    %sign3A_178 = arith.cmpi slt, %jit3A_165, %sign3A_177 : i32
    %sign3A_179 = arith.extui %sign3A_178 : i1 to i32
    %sign3A_180 = arith.subi %sign3A_176, %sign3A_179 : i32
    %ne3A_181 = arith.cmpi ne, %sign3A_173, %sign3A_180 : i32
    %rem3A_182 = arith.remsi %select_n3A_164, %jit3A_165 : i32
    %ne3A_183 = arith.constant 0 : i32
    %ne3A_184 = arith.cmpi ne, %rem3A_182, %ne3A_183 : i32
    %and3A_185 = arith.andi %ne3A_181, %ne3A_184 : i1
    %sub3A_186 = arith.constant 1 : i32
    %sub3A_187 = arith.subi %div3A_166, %sub3A_186 : i32
    %select_n3A_188 = arith.select %and3A_185, %sub3A_187, %div3A_166 : i32
    %sub3A_189 = arith.subi %select_n3A_188, %arg1 : i32
    %add3A_190 = arith.constant 16 : i32
    %add3A_191 = arith.addi %sub3A_189, %add3A_190 : i32
    %sub3A_192 = arith.constant 1 : i32
    %sub3A_193 = arith.subi %add3A_191, %sub3A_192 : i32
    %jit3A_194 = arith.constant 16 : i32
    %div3A_195 = arith.divsi %sub3A_193, %jit3A_194 : i32
    %sign3A_196 = arith.constant 0 : i32
    %sign3A_197 = arith.cmpi sgt, %sub3A_193, %sign3A_196 : i32
    %sign3A_198 = arith.extui %sign3A_197 : i1 to i32
    %sign3A_199 = arith.constant 0 : i32
    %sign3A_200 = arith.cmpi slt, %sub3A_193, %sign3A_199 : i32
    %sign3A_201 = arith.extui %sign3A_200 : i1 to i32
    %sign3A_202 = arith.subi %sign3A_198, %sign3A_201 : i32
    %sign3A_203 = arith.constant 0 : i32
    %sign3A_204 = arith.cmpi sgt, %jit3A_194, %sign3A_203 : i32
    %sign3A_205 = arith.extui %sign3A_204 : i1 to i32
    %sign3A_206 = arith.constant 0 : i32
    %sign3A_207 = arith.cmpi slt, %jit3A_194, %sign3A_206 : i32
    %sign3A_208 = arith.extui %sign3A_207 : i1 to i32
    %sign3A_209 = arith.subi %sign3A_205, %sign3A_208 : i32
    %ne3A_210 = arith.cmpi ne, %sign3A_202, %sign3A_209 : i32
    %rem3A_211 = arith.remsi %sub3A_193, %jit3A_194 : i32
    %ne3A_212 = arith.constant 0 : i32
    %ne3A_213 = arith.cmpi ne, %rem3A_211, %ne3A_212 : i32
    %and3A_214 = arith.andi %ne3A_210, %ne3A_213 : i1
    %sub3A_215 = arith.constant 1 : i32
    %sub3A_216 = arith.subi %div3A_195, %sub3A_215 : i32
    %select_n3A_217 = arith.select %and3A_214, %sub3A_216, %div3A_195 : i32
    %max3A = arith.constant 0 : i32
    %max3A_218 = arith.maxsi %max3A, %select_n3A_217 : i32
    %while3A_219 = arith.constant 0 : i32
    %while3A_220 = arith.constant 0 : i32
    %while3A_221 = arith.subi %max3A_218, %while3A_220 : i32
    %while3A_222 = arith.addi %while3A_220, %while3A_221 : i32
    %while3A_223 = arith.constant 1 : i32
    %while3A_224 = arith.divsi %while3A_221, %while3A_223 : i32
    %while3A_225 = arith.muli %while3A_224, %while3A_223 : i32
    %while3A_226 = arith.addi %while3A_220, %while3A_225 : i32
    %while3A_227 = arith.constant 1 : i32
    scf.for %while3A_244 = %while3A_220 to %while3A_226 step %while3A_227  : i32 {
      %mul3A_245 = arith.constant 16 : i32
      %mul3A_246 = arith.muli %mul3A_245, %while3A_244 : i32
      %add3A_247 = arith.addi %arg1, %mul3A_246 : i32
      %mul3A_248 = arith.constant 64 : i32
      %mul3A_249 = arith.muli %mul3A_248, %add3A_247 : i32
      %add3A_250 = arith.addi %select_n3A_159, %mul3A_249 : i32
      %dma_start3A_251 = arith.constant 0 : i32
      %dma_start3A_252 = tpu.memref_slice %arg5[%add3A_250, %dma_start3A_251] : memref<10000x128xf32, #tpu.memory_space<hbm>> -> memref<64x128xf32, #tpu.memory_space<hbm>>
      %dma_start3A_253 = arith.constant 0 : i32
      %dma_start3A_254 = tpu.memref_slice %arg13[%add3A_250, %dma_start3A_253] : memref<10000x128xf32, #tpu.memory_space<vmem_shared>> -> memref<64x128xf32, #tpu.memory_space<vmem_shared>>
      tpu.enqueue_dma source(%dma_start3A_254 : memref<64x128xf32, #tpu.memory_space<vmem_shared>>) target(%dma_start3A_252 : memref<64x128xf32, #tpu.memory_space<hbm>>) target_semaphore(%arg21 : memref<!tpu.dma_semaphore, #tpu.memory_space<semaphore_mem>>)
    }
    %while3A_228 = arith.constant 1 : i32
    scf.for %while3A_244 = %while3A_226 to %while3A_222 step %while3A_228  : i32 {
      %mul3A_245 = arith.constant 16 : i32
      %mul3A_246 = arith.muli %mul3A_245, %while3A_244 : i32
      %add3A_247 = arith.addi %arg1, %mul3A_246 : i32
      %mul3A_248 = arith.constant 64 : i32
      %mul3A_249 = arith.muli %mul3A_248, %add3A_247 : i32
      %add3A_250 = arith.addi %select_n3A_159, %mul3A_249 : i32
      %dma_start3A_251 = arith.constant 0 : i32
      %dma_start3A_252 = tpu.memref_slice %arg5[%add3A_250, %dma_start3A_251] : memref<10000x128xf32, #tpu.memory_space<hbm>> -> memref<64x128xf32, #tpu.memory_space<hbm>>
      %dma_start3A_253 = arith.constant 0 : i32
      %dma_start3A_254 = tpu.memref_slice %arg13[%add3A_250, %dma_start3A_253] : memref<10000x128xf32, #tpu.memory_space<vmem_shared>> -> memref<64x128xf32, #tpu.memory_space<vmem_shared>>
      tpu.enqueue_dma source(%dma_start3A_254 : memref<64x128xf32, #tpu.memory_space<vmem_shared>>) target(%dma_start3A_252 : memref<64x128xf32, #tpu.memory_space<hbm>>) target_semaphore(%arg21 : memref<!tpu.dma_semaphore, #tpu.memory_space<semaphore_mem>>)
    }
    %while3A_229 = arith.constant 0 : i32
    %while3A_230 = arith.constant 0 : i32
    %while3A_231 = arith.subi %max3A_218, %while3A_230 : i32
    %while3A_232 = arith.addi %while3A_230, %while3A_231 : i32
    %while3A_233 = arith.constant 1 : i32
    %while3A_234 = arith.divsi %while3A_231, %while3A_233 : i32
    %while3A_235 = arith.muli %while3A_234, %while3A_233 : i32
    %while3A_236 = arith.addi %while3A_230, %while3A_235 : i32
    %while3A_237 = arith.constant 1 : i32
    scf.for %while3A_244 = %while3A_230 to %while3A_236 step %while3A_237  : i32 {
      %mul3A_245 = arith.constant 16 : i32
      %mul3A_246 = arith.muli %mul3A_245, %while3A_244 : i32
      %add3A_247 = arith.addi %arg1, %mul3A_246 : i32
      %mul3A_248 = arith.constant 64 : i32
      %mul3A_249 = arith.muli %mul3A_248, %add3A_247 : i32
      %add3A_250 = arith.addi %select_n3A_159, %mul3A_249 : i32
      %dma_wait3A = arith.constant 0 : i32
      %dma_wait3A_251 = tpu.memref_slice %arg5[%add3A_250, %dma_wait3A] : memref<10000x128xf32, #tpu.memory_space<hbm>> -> memref<64x128xf32, #tpu.memory_space<hbm>>
      %dma_wait3A_252 = arith.constant 0 : i32
      %dma_wait3A_253 = tpu.memref_slice %arg13[%add3A_250, %dma_wait3A_252] : memref<10000x128xf32, #tpu.memory_space<vmem_shared>> -> memref<64x128xf32, #tpu.memory_space<vmem_shared>>
      tpu.wait_dma2 semaphore(%arg21 : memref<!tpu.dma_semaphore, #tpu.memory_space<semaphore_mem>>) src(%dma_wait3A_253 : memref<64x128xf32, #tpu.memory_space<vmem_shared>>) dst(%dma_wait3A_251 : memref<64x128xf32, #tpu.memory_space<hbm>>)
    }
    %while3A_238 = arith.constant 1 : i32
    scf.for %while3A_244 = %while3A_236 to %while3A_232 step %while3A_238  : i32 {
      %mul3A_245 = arith.constant 16 : i32
      %mul3A_246 = arith.muli %mul3A_245, %while3A_244 : i32
      %add3A_247 = arith.addi %arg1, %mul3A_246 : i32
      %mul3A_248 = arith.constant 64 : i32
      %mul3A_249 = arith.muli %mul3A_248, %add3A_247 : i32
      %add3A_250 = arith.addi %select_n3A_159, %mul3A_249 : i32
      %dma_wait3A = arith.constant 0 : i32
      %dma_wait3A_251 = tpu.memref_slice %arg5[%add3A_250, %dma_wait3A] : memref<10000x128xf32, #tpu.memory_space<hbm>> -> memref<64x128xf32, #tpu.memory_space<hbm>>
      %dma_wait3A_252 = arith.constant 0 : i32
      %dma_wait3A_253 = tpu.memref_slice %arg13[%add3A_250, %dma_wait3A_252] : memref<10000x128xf32, #tpu.memory_space<vmem_shared>> -> memref<64x128xf32, #tpu.memory_space<vmem_shared>>
      tpu.wait_dma2 semaphore(%arg21 : memref<!tpu.dma_semaphore, #tpu.memory_space<semaphore_mem>>) src(%dma_wait3A_253 : memref<64x128xf32, #tpu.memory_space<vmem_shared>>) dst(%dma_wait3A_251 : memref<64x128xf32, #tpu.memory_space<hbm>>)
    }
    %eq3A_239 = arith.constant 0 : i32
    %eq3A_240 = arith.cmpi eq, %arg1, %eq3A_239 : i32
    %convert_element_type3A_241 = arith.extui %eq3A_240 : i1 to i32
    %cond3A_242 = arith.constant 0 : i32
    %cond3A_243 = arith.cmpi ne, %convert_element_type3A_241, %cond3A_242 : i32
    scf.if %cond3A_243 {
      %mul3A_244 = arith.constant 64 : i32
      %mul3A_245 = arith.muli %mul3A_244, %select_n3A_188 : i32
      %sub3A_246 = arith.subi %select_n3A_164, %mul3A_245 : i32
      %jit3A_247 = arith.constant 8 : i32
      %div3A_248 = arith.divsi %sub3A_246, %jit3A_247 : i32
      %sign3A_249 = arith.constant 0 : i32
      %sign3A_250 = arith.cmpi sgt, %sub3A_246, %sign3A_249 : i32
      %sign3A_251 = arith.extui %sign3A_250 : i1 to i32
      %sign3A_252 = arith.constant 0 : i32
      %sign3A_253 = arith.cmpi slt, %sub3A_246, %sign3A_252 : i32
      %sign3A_254 = arith.extui %sign3A_253 : i1 to i32
      %sign3A_255 = arith.subi %sign3A_251, %sign3A_254 : i32
      %sign3A_256 = arith.constant 0 : i32
      %sign3A_257 = arith.cmpi sgt, %jit3A_247, %sign3A_256 : i32
      %sign3A_258 = arith.extui %sign3A_257 : i1 to i32
      %sign3A_259 = arith.constant 0 : i32
      %sign3A_260 = arith.cmpi slt, %jit3A_247, %sign3A_259 : i32
      %sign3A_261 = arith.extui %sign3A_260 : i1 to i32
      %sign3A_262 = arith.subi %sign3A_258, %sign3A_261 : i32
      %ne3A_263 = arith.cmpi ne, %sign3A_255, %sign3A_262 : i32
      %rem3A_264 = arith.remsi %sub3A_246, %jit3A_247 : i32
      %ne3A_265 = arith.constant 0 : i32
      %ne3A_266 = arith.cmpi ne, %rem3A_264, %ne3A_265 : i32
      %and3A_267 = arith.andi %ne3A_263, %ne3A_266 : i1
      %sub3A_268 = arith.constant 1 : i32
      %sub3A_269 = arith.subi %div3A_248, %sub3A_268 : i32
      %select_n3A_270 = arith.select %and3A_267, %sub3A_269, %div3A_248 : i32
      %while3A_271 = arith.constant 0 : i32
      %while3A_272 = arith.constant 0 : i32
      %while3A_273 = arith.subi %select_n3A_270, %while3A_272 : i32
      %while3A_274 = arith.addi %while3A_272, %while3A_273 : i32
      %while3A_275 = arith.constant 1 : i32
      %while3A_276 = arith.divsi %while3A_273, %while3A_275 : i32
      %while3A_277 = arith.muli %while3A_276, %while3A_275 : i32
      %while3A_278 = arith.addi %while3A_272, %while3A_277 : i32
      %while3A_279 = arith.constant 1 : i32
      scf.for %while3A_281 = %while3A_272 to %while3A_278 step %while3A_279  : i32 {
        %mul3A_282 = arith.constant 64 : i32
        %mul3A_283 = arith.muli %mul3A_282, %select_n3A_188 : i32
        %add3A_284 = arith.addi %select_n3A_159, %mul3A_283 : i32
        %mul3A_285 = arith.constant 8 : i32
        %mul3A_286 = arith.muli %mul3A_285, %while3A_281 : i32
        %add3A_287 = arith.addi %add3A_284, %mul3A_286 : i32
        "tpu.region"() ({
          %run_scoped3A = tpu.sem_alloc : memref<!tpu.dma_semaphore, #tpu.memory_space<semaphore_mem>>
          %dma_start3A_288 = arith.constant 0 : i32
          %dma_start3A_289 = tpu.memref_slice %arg5[%add3A_287, %dma_start3A_288] : memref<10000x128xf32, #tpu.memory_space<hbm>> -> memref<8x128xf32, #tpu.memory_space<hbm>>
          %dma_start3A_290 = arith.constant 0 : i32
          %dma_start3A_291 = tpu.memref_slice %arg13[%add3A_287, %dma_start3A_290] : memref<10000x128xf32, #tpu.memory_space<vmem_shared>> -> memref<8x128xf32, #tpu.memory_space<vmem_shared>>
          tpu.enqueue_dma source(%dma_start3A_291 : memref<8x128xf32, #tpu.memory_space<vmem_shared>>) target(%dma_start3A_289 : memref<8x128xf32, #tpu.memory_space<hbm>>) target_semaphore(%run_scoped3A : memref<!tpu.dma_semaphore, #tpu.memory_space<semaphore_mem>>)
          %dma_wait3A = arith.constant 0 : i32
          %dma_wait3A_292 = tpu.memref_slice %arg5[%add3A_287, %dma_wait3A] : memref<10000x128xf32, #tpu.memory_space<hbm>> -> memref<8x128xf32, #tpu.memory_space<hbm>>
          %dma_wait3A_293 = arith.constant 0 : i32
          %dma_wait3A_294 = tpu.memref_slice %arg13[%add3A_287, %dma_wait3A_293] : memref<10000x128xf32, #tpu.memory_space<vmem_shared>> -> memref<8x128xf32, #tpu.memory_space<vmem_shared>>
          tpu.wait_dma2 semaphore(%run_scoped3A : memref<!tpu.dma_semaphore, #tpu.memory_space<semaphore_mem>>) src(%dma_wait3A_294 : memref<8x128xf32, #tpu.memory_space<vmem_shared>>) dst(%dma_wait3A_292 : memref<8x128xf32, #tpu.memory_space<hbm>>)
          tpu.yield
        }) : () -> ()
      }
      %while3A_280 = arith.constant 1 : i32
      scf.for %while3A_281 = %while3A_278 to %while3A_274 step %while3A_280  : i32 {
        %mul3A_282 = arith.constant 64 : i32
        %mul3A_283 = arith.muli %mul3A_282, %select_n3A_188 : i32
        %add3A_284 = arith.addi %select_n3A_159, %mul3A_283 : i32
        %mul3A_285 = arith.constant 8 : i32
        %mul3A_286 = arith.muli %mul3A_285, %while3A_281 : i32
        %add3A_287 = arith.addi %add3A_284, %mul3A_286 : i32
        "tpu.region"() ({
          %run_scoped3A = tpu.sem_alloc : memref<!tpu.dma_semaphore, #tpu.memory_space<semaphore_mem>>
          %dma_start3A_288 = arith.constant 0 : i32
          %dma_start3A_289 = tpu.memref_slice %arg5[%add3A_287, %dma_start3A_288] : memref<10000x128xf32, #tpu.memory_space<hbm>> -> memref<8x128xf32, #tpu.memory_space<hbm>>
          %dma_start3A_290 = arith.constant 0 : i32
          %dma_start3A_291 = tpu.memref_slice %arg13[%add3A_287, %dma_start3A_290] : memref<10000x128xf32, #tpu.memory_space<vmem_shared>> -> memref<8x128xf32, #tpu.memory_space<vmem_shared>>
          tpu.enqueue_dma source(%dma_start3A_291 : memref<8x128xf32, #tpu.memory_space<vmem_shared>>) target(%dma_start3A_289 : memref<8x128xf32, #tpu.memory_space<hbm>>) target_semaphore(%run_scoped3A : memref<!tpu.dma_semaphore, #tpu.memory_space<semaphore_mem>>)
          %dma_wait3A = arith.constant 0 : i32
          %dma_wait3A_292 = tpu.memref_slice %arg5[%add3A_287, %dma_wait3A] : memref<10000x128xf32, #tpu.memory_space<hbm>> -> memref<8x128xf32, #tpu.memory_space<hbm>>
          %dma_wait3A_293 = arith.constant 0 : i32
          %dma_wait3A_294 = tpu.memref_slice %arg13[%add3A_287, %dma_wait3A_293] : memref<10000x128xf32, #tpu.memory_space<vmem_shared>> -> memref<8x128xf32, #tpu.memory_space<vmem_shared>>
          tpu.wait_dma2 semaphore(%run_scoped3A : memref<!tpu.dma_semaphore, #tpu.memory_space<semaphore_mem>>) src(%dma_wait3A_294 : memref<8x128xf32, #tpu.memory_space<vmem_shared>>) dst(%dma_wait3A_292 : memref<8x128xf32, #tpu.memory_space<hbm>>)
          tpu.yield
        }) : () -> ()
      }
    } else {
    }
    return
  }
}

</mosaic_0001>

<sc_bundles>
// kernel: kernel.3.cloned.1.call-start
scs
__scs_entry_jumppad:
0x0: {  	(pc) =	sbr.rel $0x88, $3  }
0x1: {  	(tag) =	ssettag $0x0;
	lr =	simm.s32 $0x1  }
0x2: {  	[smem:$0x3F9F] =	sst lr;
	_ =	strace $0xD0000000  }
0x3: {  	_ = 	snop  }
0x4: {  	_ = 	snop  }
0x5: {  	_ = 	snop  }
0x6: {  	_ = 	snop  }
0x7: {  	_ = 	snop  }
__scs_overlays_trampoline_lowered:
0x8: {  	[smem:$0x3FAE] =	sst s0  }
0x9: {  	[smem:$0x3FAF] =	sst s1  }
0xa: {  	[smem:$0x3FB0] =	sst s2  }
0xb: {  	[smem:$0x3FB1] =	sst s3  }
0xc: {  	[smem:$0x3FB2] =	sst s4  }
0xd: {  	[smem:$0x3FB3] =	sst s5  }
0xe: {  	[smem:$0x3FB4] =	sst s6  }
0xf: {  	[smem:$0x3FB5] =	sst s7  }
0x10: {  	[smem:$0x3FB6] =	sst s8  }
0x11: {  	[smem:$0x3FB7] =	sst s9;
	s0 =	simm.s32 @!p0 $0x0  }
0x12: {  	s1 =	sld [smem:$0x3F9D];
	s0 =	simm.s32 @p0 $0x1  }
0x13: {  	[smem:$0x3FB8] =	sst s0;
	s0 =	simm.s32 @!p1 $0x0  }
0x14: {  	s2 =	sld [smem:$0x3F9C];
	s0 =	simm.s32 @p1 $0x1  }
0x15: {  	[smem:$0x3FB9] =	sst s0;
	s0 =	simm.s32 @!p2 $0x0  }
0x16: {  	s3 =	sld [smem:$0x3FDB];
	s0 =	simm.s32 @p2 $0x1  }
0x17: {  	s4 =	simm.s32 $0x1BF5;
	[smem:$0x3FBB] =	sst s0  }
0x18: {  	s0 =	sld [smem:$0x3F9E];
	_ =	swait.ge [sflag:s4], $0x0  }
0x19: {  	s7 =	sld [smem:$0x3F9F]  }
0x1a: {  	s8 =	sadd.s32 $0xFFFFE003, lr  }
0x1b: {  	s9 =	sadd.s32 $0xFFFFFEF7, lr;
	s5 =	simm.s32 $0xFFFFFFFF;
	p2 =	slt.u32 s8, $0xFFFFF086  }
0x1c: {  	p1 =	slt.u32 s9, $0xF7A;
	s5 =	simm.s32 @!p2 $0x0  }
0x1d: {  	s5 =	simm.s32 @p1 $0x1;
	p0 =	seq.s32 s7, s2  }
0x1e: {  	s7 =	smul.u32 @!p0 $0xF7A, s2;
	p2 =	seq.s32 @!p0 s5, $0x0  }
0x1f: {  	s9 =	smul.u32 $0xF7A, s1;
	s8 =	simm.s32 @!p0 $0x1BF5;
	p2 =	por !p2, p0  }
0x20: {  	[sflag:s8] =	ssyncset.s32 @!p0 $0xFFFFF086;
	s6 =	sadd.s32 @!p0 s3, s7;
	s7 =	simm.s32 @!p0 $0x108  }
0x21: {  	s3 =	sadd.s32 s3, s9;
	s6 =	sadd.s32 @!p0 $0x88, s6;
	s7 =	simm.s32 @p2 $0x1082  }
0x22: {  	[simem:s7], [sflag:s8] =	dma.local @!p0 [hbm:s6], $0xF7A  }
0x23: {  	s9 =	sor.u32 $0xD0000000, s2;
	s6 =	simm.s32 $0x108;
	_ =	swait.ge @!p0 [sflag:s8], $0x0  }
0x24: {  	s3 =	sadd.s32 $0x88, s3;
	s6 =	simm.s32 @!p1 $0x1082;
	[sflag:s4] =	ssyncset.s32 $0xFFFFF086  }
0x25: {  	[simem:s6], [sflag:s4] =	dma.local [hbm:s3], $0xF7A  }
0x26: {  	[smem:$0x3F9F] =	sst s1;
	(tag) =	ssettag s2;
	_ =	strace s9  }
0x27: {  	s1 =	sld [smem:$0x3FAF]  }
0x28: {  	s2 =	sld [smem:$0x3FB0]  }
0x29: {  	s4 =	sld [smem:$0x3FB2]  }
0x2a: {  	p0 =	seq.s32 s5, $0x0;
	s5 =	sld [smem:$0x3FB3]  }
0x2b: {  	s6 =	sld [smem:$0x3FB4]  }
0x2c: {  	s7 =	sld [smem:$0x3FB5]  }
0x2d: {  	s3 =	simm.s32 $0x108;
	s8 =	sld [smem:$0x3FB6]  }
0x2e: {  	s3 =	simm.s32 @!p0 $0x1082;
	s9 =	sld [smem:$0x3FB7]  }
0x2f: {  	lr =	sadd.s32 s0, s3;
	s0 =	sld [smem:$0x3FAE]  }
0x30: {  	s3 =	sld [smem:$0x3FB1]  }
0x31: {  	[smem:$0x3FBA] =	sst s10  }
0x32: {  	s10 =	sld [smem:$0x3FB8];
	_ =	sdelay $0x3  }
0x33: {  	p0 =	seq.s32 s10, $0x1;
	s10 =	sld [smem:$0x3FBA];
	_ =	sdelay $0x3  }
0x34: {  	[smem:$0x3FBA] =	sst s10  }
0x35: {  	s10 =	sld [smem:$0x3FB9];
	_ =	sdelay $0x3  }
0x36: {  	p1 =	seq.s32 s10, $0x1;
	s10 =	sld [smem:$0x3FBA];
	_ =	sdelay $0x3  }
0x37: {  	[smem:$0x3FBA] =	sst s10  }
0x38: {  	s10 =	sld [smem:$0x3FBB]  }
0x39: {  	_ = 	snop;
	(pc) =	sbr.ind lr, $3  }
0x3a: {  	_ = 	snop  }
0x3b: {  	_ = 	snop  }
0x3c: {  	p2 =	seq.s32 s10, $0x1;
	s10 =	sld [smem:$0x3FBA]  }
0x3d: {  	_ =	shalt  }
0x3e: {  	_ =	shalt  }
0x3f: {  	_ =	shalt  }
0x40: {  	_ =	shalt  }
0x41: {  	_ =	shalt  }
0x42: {  	_ =	shalt  }
0x43: {  	_ =	shalt  }
0x44: {  	_ =	shalt  }
0x45: {  	_ =	shalt  }
0x46: {  	_ =	shalt  }
0x47: {  	_ =	shalt  }
0x48: {  	_ =	shalt  }
0x49: {  	_ =	shalt  }
0x4a: {  	_ =	shalt  }
0x4b: {  	_ =	shalt  }
0x4c: {  	_ =	shalt  }
0x4d: {  	_ =	shalt  }
0x4e: {  	_ =	shalt  }
0x4f: {  	_ =	shalt  }
0x50: {  	_ =	shalt  }
0x51: {  	_ =	shalt  }
0x52: {  	_ =	shalt  }
0x53: {  	_ =	shalt  }
0x54: {  	_ =	shalt  }
0x55: {  	_ =	shalt  }
0x56: {  	_ =	shalt  }
0x57: {  	_ =	shalt  }
0x58: {  	_ =	shalt  }
0x59: {  	_ =	shalt  }
0x5a: {  	_ =	shalt  }
0x5b: {  	_ =	shalt  }
0x5c: {  	_ =	shalt  }
0x5d: {  	_ =	shalt  }
0x5e: {  	_ =	shalt  }
0x5f: {  	_ =	shalt  }
0x60: {  	_ =	shalt  }
0x61: {  	_ =	shalt  }
0x62: {  	_ =	shalt  }
0x63: {  	_ =	shalt  }
0x64: {  	_ =	shalt  }
0x65: {  	_ =	shalt  }
0x66: {  	_ =	shalt  }
0x67: {  	_ =	shalt  }
0x68: {  	_ =	shalt  }
0x69: {  	_ =	shalt  }
0x6a: {  	_ =	shalt  }
0x6b: {  	_ =	shalt  }
0x6c: {  	_ =	shalt  }
0x6d: {  	_ =	shalt  }
0x6e: {  	_ =	shalt  }
0x6f: {  	_ =	shalt  }
0x70: {  	_ =	shalt  }
0x71: {  	_ =	shalt  }
0x72: {  	_ =	shalt  }
0x73: {  	_ =	shalt  }
0x74: {  	_ =	shalt  }
0x75: {  	_ =	shalt  }
0x76: {  	_ =	shalt  }
0x77: {  	_ =	shalt  }
0x78: {  	_ =	shalt  }
0x79: {  	_ =	shalt  }
0x7a: {  	_ =	shalt  }
0x7b: {  	_ =	shalt  }
0x7c: {  	_ =	shalt  }
0x7d: {  	_ =	shalt  }
0x7e: {  	_ =	shalt  }
0x7f: {  	_ =	shalt  }
0x80: {  	_ =	shalt  }
0x81: {  	_ =	shalt  }
0x82: {  	_ =	shalt  }
0x83: {  	_ =	shalt  }
0x84: {  	_ =	shalt  }
0x85: {  	_ =	shalt  }
0x86: {  	_ =	shalt  }
0x87: {  	_ =	shalt  }
.Lfunc_end0:
.L_simem_size_0:
called_computation_lowered:
.L_overlay_start_0:
0x88: {  	s2 =	sld [smem:$0x3FD9]  }
0x89: {  	s3 =	sld [smem:$0x3FFE];
	_ =	sdelay $0x1  }
0x8a: {  	s1 =	srdreg.scid  }
0x8b: {  	s0 =	sand.u32 $0x1, s1  }
0x8c: {  	s17 =	sshll.u32 s0, $0xA;
	s2 =	sadd.s32 s3, s2  }
0x8d: {  	s2 =	sadd.s32 s2, s17  }
0x8e: {  	[smem:$0x3FC6] =	sst s2  }
0x8f: {  	_ = 	snop  }
0x90: {  	s2 =	sld [smem:$0x3FC9]  }
0x91: {  	s18 =	sld [smem:$0x3FC8]  }
0x92: {  	s4 =	sld [smem:$0x3FD0];
	(tm) =	ssettm $0x1  }
0x93: {  	s5 =	sld [smem:$0x3FFB];
	_ =	sdelay $0x3  }
0x94: {  	_ =	strace s5  }
0x95: {  	s5 =	sld [smem:$0x3FFC];
	_ =	sdelay $0x3  }
0x96: {  	_ =	strace s5  }
0x97: {  	s5 =	sld [smem:$0x3FFD];
	_ =	sdelay $0x3  }
0x98: {  	_ =	strace s5  }
0x99: {  	_ =	strace $0x8FFFFFFF  }
0x9a: {  	s19 =	sld [smem:$0x3FDB];
	_ =	sdelay $0x1  }
0x9b: {  	s6 =	simm.s32 $_scs_section_size  }
0x9c: {  	s7 =	simm.s32 $_size__tile_overlayer_lowered;
	s8 =	simm.s32 $_tile_overlayer_lowered  }
0x9d: {  	s22 =	simm.s32 $0x1BFF;
	s21 =	sshll.u32 s8, $0x1;
	s5 =	sadd.s32 s6, s19  }
0x9e: {  	s9 =	simm.s32 $0x0;
	s20 =	sshll.u32 s7, $0x1;
	s7 =	sadd.s32 s21, s5  }
0x9f: {  	[timem:s9], [sflag:s22] =	dma.local [hbm:s7], s20  }
0xa0: {  	_ =	swait.ge [sflag:s22], s20  }
0xa1: {  	s6 =	ssub.s32 $0x0, s20;
	[sflag:s22] =	ssyncset.done $0x0  }
0xa2: {  	[sflag:s22] =	ssyncadd.s32 s6;
	_ =	sdelay $0x1  }
0xa3: {  	s23 =	simm.s32 $0x1B8B  }
0xa4: {  	_ =	swait.ge [sflag:s23], $0x1  }
0xa5: {  	[sflag:s23] =	ssyncset.done $0x0  }
0xa6: {  	s25 =	simm.s32 $0x1B8E;
	s24 =	sld [smem:$0x3FFE];
	[sflag:s23] =	ssyncadd.s32 $0xFFFFFFFF  }
0xa7: {  	s26 =	simm.s32 $execute0_lowered;
	[smem:$0x3FD2] =	sst s25  }
0xa8: {  	s7 =	sshll.u32 s26, $0x1;
	_ =	strace $0x80000046;
	[dreg:$0x1] =	wrdreg $0xFFFFFFFF  }
0xa9: {  	s28 =	simm.s32 $_size_execute0_lowered;
	s5 =	sadd.s32 s5, s7;
	[dreg:$0x0] =	wrdreg $0x0  }
0xaa: {  	s7 =	sshll.u32 s28, $0x1;
	[dreg:$0x2] =	wrdreg s5  }
0xab: {  	[dreg:$0x3] =	wrdreg s7  }
0xac: {  	[dreg:$0x4] =	wrdreg $0xC0  }
0xad: {  	_ =	task [dreg:s9], $0x5FFFF  }
0xae: {  	[dreg:$0x1] =	wrdreg $0xFFFFFFFF  }
0xaf: {  	[dreg:$0x0] =	wrdreg $0x60  }
0xb0: {  	[dreg:$0x2] =	wrdreg s2  }
0xb1: {  	[dreg:$0x3] =	wrdreg s18  }
0xb2: {  	[dreg:$0x4] =	wrdreg s24  }
0xb3: {  	[dreg:$0x5] =	wrdreg s4  }
0xb4: {  	[dreg:$0x6] =	wrdreg $0xC2000  }
0xb5: {  	[dreg:$0x7] =	wrdreg $0x9  }
0xb6: {  	_ =	task.clear_ibuf [dreg:s9], $0x8FFFF;
	_ =	strace $0x90000046  }
0xb7: {  	s29 =	simm.s32 $0x9;
	_ =	strace $0x80000048  }
0xb8: {  	_ =	swait.ge [sflag:s29], $0x1  }
0xb9: {  	[sflag:s29] =	ssyncadd.s32 $0xFFFFFFFF  }
0xba: {  	_ =	strace $0x90000048  }
0xbb: {  	_ =	sfence  }
0xbc: {  	s30 =	sld [smem:$0x0];
	_ =	sdelay $0x2  }
0xbd: {  	s31 =	sshll.u32 s1, $0xD;
	s1 =	sshrl.u32 s1, $0x2  }
0xbe: {  	s3 =	sand.u32 $0x4000, s31;
	s1 =	sadd.s32 s1, s30  }
0xbf: {  	s0 =	sor.u32 s3, s0;
	s1 =	sshll.u32 s1, $0x11  }
0xc0: {  	s0 =	sor.u32 s1, s0  }
0xc1: {  	s0 =	sadd.s32 $0x8F2B, s0  }
0xc2: {  	[sflag:s0] =	ssyncadd.remote.s32 $0x1  }
0xc3: {  	_ =	sfence.sel $0xFFFF  }
0xc4: {  	[dreg:$0x0] =	wrdreg $0xFFFFFFFF;
	(pc) =	sbr.abs _section_cstart, $3  }
0xc5: {  	[dreg:$0x1] =	wrdreg $0xFFFFFFFF  }
0xc6: {  	_ =	task.clear_ibuf [dreg:s9], $0x2FFFF;
	_ =	strace $0x9FFFFFFF  }
0xc7: {  	(tm) =	ssettm $0x7FFFFFFF  }
tec
execute0_lowered:
.L_overlay_start_1:
0x0: {  	(tag) =	ssettag $0x1  }
0x1: {  	s0 =	rddreg [dreg:$0x0]  }
0x2: {  	s1 =	rddreg [dreg:$0x1]  }
0x3: {  	s5 =	rddreg [dreg:$0x2]  }
0x4: {  	s2 =	rddreg [dreg:$0x3]  }
0x5: {  	s3 =	rddreg [dreg:$0x4];
	s4 =	simm.s32 $0x0  }
0x6: {  	s14 =	stileid.u32;
	s6 =	srdreg.scid;
	s31 =	simm.s32 $0x8  }
0x7: {  	[smem:$0x7FF] =	sst s4;
	s7 =	smul.u32 $0x2700, s14;
	s8 =	sand.u32 $0x1, s6  }
0x8: {  	s9 =	smul.u32 $0x4E000, s14;
	s17 =	ssub.s32 $0x4F1, s14;
	s15 =	sshll.u32 s14, $0x6  }
0x9: {  	p0 =	sne.s32 s14, $0x0;
	s29 =	sadd.s32 $0x4E2, s14;
	_ =	strace $0x80000047  }
0xa: {  	s6 =	ssub.s32 $0x2, s8;
	s11 =	smul.u32 $0x4E2, s8;
	p1 =	sne.s32 s8, $0x0  }
0xb: {  	p2 =	seq.s32 s8, $0x0;
	[dreg:$0xa] =	wrdreg s15;
	s28 =	sor.u32 $0x1C08, s15  }
0xc: {  	s7 =	sadd.s32 s7, s5;
	s10 =	sshrl.u32 s6, $0x1;
	s9 =	sshrl.u32 s9, $0x2  }
0xd: {  	s5 =	sadd.s32 $0x27400, s5;
	s10 =	ssub.s32 s6, s10;
	s11 =	sadd.s32 s14, s11  }
0xe: {  	s6 =	sshrl.u32 s17, $0x4;
	s7 =	sadd.s32 $0x400, s7;
	[dreg:$0xb] =	wrdreg s5  }
0xf: {  	s9 =	sadd.s32 s9, s3;
	s17 =	smul.u32 $0x27100, s8;
	[dreg:$0x9] =	wrdreg s7  }
0x10: {  	s7 =	sadd.s32 $0x138000, s3;
	s18 =	sshll.u32 s11, $0x4;
	s12 =	sshll.u32 s11, $0x7  }
0x11: {  	s19 =	sshll.u32 s11, $0xB;
	s13 =	smul.u32 $0x56, s6;
	s26 =	sadd.s32 $0xFFFFFFFF, s6  }
0x12: {  	s30 =	sadd.s32 $0xFFFFFFFE, s6;
	s10 =	smax.u32 s10, $0x1;
	[dreg:$0x6] =	wrdreg s26  }
0x13: {  	s5 =	sadd.s32 s1, s18;
	s20 =	sadd.s32 $0x800, s12;
	[dreg:$0x7] =	wrdreg s30  }
0x14: {  	s23 =	sadd.s32 $0x1000, s12;
	s18 =	smul.u32 $0x271000, s8;
	[dreg:$0x12] =	wrdreg s10  }
0x15: {  	s26 =	sshll.u32 s14, $0x4;
	s30 =	sshll.u32 s14, $0xD;
	[dreg:$0xc] =	wrdreg s5  }
0x16: {  	s5 =	sadd.s32 s0, s19;
	s21 =	sshrl.u32 s20, $0x3;
	s22 =	sshll.u32 s20, $0x4  }
0x17: {  	s24 =	sshrl.u32 s23, $0x3;
	s25 =	sadd.s32 $0xAC, s13;
	s11 =	sshll.u32 s23, $0x4  }
0x18: {  	s19 =	sshll.u32 s14, $0xB;
	s20 =	sshll.u32 s14, $0x7;
	[dreg:$0x13] =	wrdreg s30  }
0x19: {  	[dreg:$0xd] =	wrdreg s5;
	s5 =	sadd.s32 s1, s21;
	s12 =	sshrl.u32 s25, $0x8  }
0x1a: {  	s16 =	sadd.s32 s0, s11;
	[dreg:$0xe] =	wrdreg s5;
	s5 =	sadd.s32 s0, s22  }
0x1b: {  	s12 =	smul.u32 $0x3, s12;
	[dreg:$0x11] =	wrdreg s16;
	s16 =	sadd.s32 $0x4E20, s1  }
0x1c: {  	s0 =	sadd.s32 s19, s0;
	[dreg:$0xf] =	wrdreg s5;
	s5 =	sadd.s32 s1, s24  }
0x1d: {  	s21 =	sadd.s32 s18, s0;
	[dreg:$0x10] =	wrdreg s5;
	s5 =	sadd.s32 s20, s17  }
0x1e: {  	[dreg:$0x8] =	wrdreg s12;
	s18 =	sadd.s32 $0x18000, s21;
	s22 =	sadd.s32 $0x2800, s5  }
.Ltmp0:
0x1f: {  	s23 =	sadd.s32 $0x2000, s5;
	s19 =	sadd.s32 $0x1800, s5;
	(pc) =	sbr.rel .LBB2_1-.Ltmp0, $4  }
0x20: {  	s5 =	simm.s32 $0x0;
	s24 =	sshrl.u32 s22, $0x3;
	s25 =	sshrl.u32 s23, $0x3  }
0x21: {  	s22 =	sadd.s32 s26, s16;
	s23 =	sadd.s32 $0x271000, s0;
	s0 =	sadd.s32 s30, s3  }
0x22: {  	s20 =	sadd.s32 s24, s1;
	s21 =	sadd.s32 s25, s1;
	s24 =	sshrl.u32 s9, $0x3  }
0x23: {  	s25 =	sshrl.u32 @!p0 s7, $0x3;
	[dreg:$0x14] =	wrdreg s0;
	s0 =	simm.s32 $0x7  }
.LBB2_16:
0x24: {  	_ =	swait.ge [sflag:s31], $0x80  }
0x25: {  	[sflag:s31] =	ssyncset.done $0x0  }
0x26: {  	[sflag:s31] =	ssyncadd.s32 $0xFFFFFF80  }
.LBB2_17:
0x27: {  	s5 =	sadd.s32 $0x1, s5;
	s7 =	rddreg [dreg:$0x12]  }
0x28: {  	p3 =	sne.s32 s5, s7  }
.Ltmp1:
0x29: {  	_ = 	snop;
	(pc) =	sbr.rel @!p3 .LBB2_18-.Ltmp1, $1  }
0x2a: {  	_ =	sdelay $0x3  }
.LBB2_1:
0x2b: {  	s7 =	rddreg [dreg:$0x9]  }
0x2c: {  	[spmem:s24], [sflag:s28] =	dma.local [hbm:s7], $0x2700  }
0x2d: {  	_ =	swait.ge [sflag:s31], $0x2700  }
0x2e: {  	[sflag:s31] =	ssyncset.done $0x0  }
0x2f: {  	s7 =	rddreg [dreg:$0xb];
	[sflag:s31] =	ssyncadd.s32 $0xFFFFD900  }
0x30: {  	[spmem:s25], [sflag:s28] =	dma.local @!p0 [hbm:s7], $0x100  }
0x31: {  	s7 =	simm.s32 @!p0 $0x8  }
0x32: {  	_ =	swait.ge @!p0 [sflag:s7], $0x100  }
0x33: {  	[sflag:s7] =	ssyncset.done @!p0 $0x0  }
0x34: {  	s8 =	rddreg [dreg:$0xc];
	[sflag:s7] =	ssyncadd.s32 @!p0 $0xFFFFFF00  }
0x35: {  	[tilespmem:s4], [sflag:$0x4] =	stream.linear.gather [hbm4b:s8+s4], $0x80, $0x38;
	[tilespmem:$0x1FA80] =	vst v63  }
0x36: {  	s9 =	rddreg [dreg:$0xd];
	s8 =	simm.s32 $0x180  }
0x37: {  	[tilespmem:s8], [sflag:$0x1] =	stream.linear.gather [hbm4b:s9+s4], $0x4000, $0x38;
	[tilespmem:$0x1FA80] =	vst v63  }
0x38: {  	s11 =	simm.s32 $0x80;
	s10 =	rddreg [dreg:$0xe]  }
0x39: {  	[tilespmem:s11], [sflag:$0x5] =	stream.linear.gather [hbm4b:s10+s4], $0x80, $0x38;
	[tilespmem:$0x1FA80] =	vst v63  }
0x3a: {  	s13 =	simm.s32 $0x4180;
	s15 =	simm.s32 $0x100;
	s12 =	rddreg [dreg:$0xf]  }
0x3b: {  	[tilespmem:s13], [sflag:$0x2] =	stream.linear.gather [hbm4b:s12+s4], $0x4000, $0x38;
	[tilespmem:$0x1FA80] =	vst v63  }
0x3c: {  	s26 =	simm.s32 $0x8180;
	s30 =	smov.u32 s18;
	s14 =	rddreg [dreg:$0x10]  }
0x3d: {  	[tilespmem:s15], [sflag:$0x6] =	stream.linear.gather [hbm4b:s14+s4], $0x80, $0x38;
	[tilespmem:$0x1FA80] =	vst v63  }
0x3e: {  	s17 =	rddreg [dreg:$0x11];
	s7 =	smov.u32 s20;
	s8 =	smov.u32 s21  }
0x3f: {  	[tilespmem:s26], [sflag:$0x3] =	stream.linear.gather [hbm4b:s17+s4], $0x4000, $0x38;
	[tilespmem:$0x1FA80] =	vst v63  }
0x40: {  	s9 =	simm.s32 $0x0;
	s26 =	smov.u32 s19;
	[bflag:$0x0] =	sbarrier.arrive $0xFFFF  }
.LBB2_2:
0x41: {  	p3 =	sge.u32 s9, s6  }
0x42: {  	s10 =	simm.s32 @!p3 $0x4  }
0x43: {  	_ =	swait.ge @!p3 [sflag:s10], $0x80  }
0x44: {  	[sflag:s10] =	ssyncset.done @!p3 $0x0  }
0x45: {  	[sflag:s10] =	ssyncadd.s32 @!p3 $0xFFFFFF80;
	s10 =	simm.s32 @!p3 $0x1  }
0x46: {  	_ =	swait.ge @!p3 [sflag:s10], $0x4000  }
0x47: {  	s11 =	simm.s32 @!p3 $0x0;
	[sflag:s10] =	ssyncset.done @!p3 $0x0  }
0x48: {  	s12 =	simm.s32 @!p3 $0x180;
	[sflag:s10] =	ssyncadd.s32 @!p3 $0xFFFFC000;
	s10 =	simm.s32 @!p3 $0x80  }
0x49: {  	[spmem:s3] =	stream.indirect.scatter.add.f32 @!p3 [tilespmem:s12], [sflag:$0x8], $0x80, s11, s10, $0xb8;
	[tilespmem:$0x1FA80] =	vst v63  }
0x4a: {  	s10 =	sadd.s32 @!p3 $0x3, s9;
	s11 =	simm.s32 @!p3 $0x8  }
0x4b: {  	p4 =	sge.u32 @!p3 s10, s6;
	_ =	swait.ge @!p3 [sflag:s11], $0x4000  }
0x4c: {  	p4 =	por p4, p3;
	[sflag:s11] =	ssyncset.done @!p3 $0x0  }
0x4d: {  	s14 =	rddreg [dreg:$0x6];
	s10 =	sshrl.u32 @!p4 s26, $0x3;
	[sflag:s11] =	ssyncadd.s32 @!p3 $0xFFFFC000  }
0x4e: {  	s11 =	simm.s32 @!p4 $0x0;
	p3 =	sge.u32 s9, s14;
	s10 =	sadd.s32 @!p4 s1, s10  }
0x4f: {  	[tilespmem:s11], [sflag:$0x4] =	stream.linear.gather @!p4 [hbm4b:s10+s11], $0x80, $0x38;
	[tilespmem:$0x1FA80] =	vst v63  }
0x50: {  	s12 =	simm.s32 @!p4 $0x180;
	s10 =	simm.s32 @!p3 $0x5  }
0x51: {  	[tilespmem:s12], [sflag:$0x1] =	stream.linear.gather @!p4 [hbm4b:s30+s11], $0x4000, $0x38;
	[tilespmem:$0x1FA80] =	vst v63  }
0x52: {  	_ =	swait.ge @!p3 [sflag:s10], $0x80  }
0x53: {  	[sflag:s10] =	ssyncset.done @!p3 $0x0  }
0x54: {  	[sflag:s10] =	ssyncadd.s32 @!p3 $0xFFFFFF80;
	s10 =	simm.s32 @!p3 $0x2  }
0x55: {  	_ =	swait.ge @!p3 [sflag:s10], $0x4000  }
0x56: {  	[sflag:s10] =	ssyncset.done @!p3 $0x0  }
0x57: {  	s11 =	simm.s32 @!p3 $0x4180;
	[sflag:s10] =	ssyncadd.s32 @!p3 $0xFFFFC000;
	s10 =	simm.s32 @!p3 $0x80  }
0x58: {  	[spmem:s3] =	stream.indirect.scatter.add.f32 @!p3 [tilespmem:s11], [sflag:$0x8], $0x80, s10, s10, $0xb8;
	[tilespmem:$0x1FA80] =	vst v63  }
0x59: {  	s10 =	simm.s32 @!p3 $0x8;
	s11 =	sadd.s32 @!p3 $0x4, s9  }
0x5a: {  	_ =	swait.ge @!p3 [sflag:s10], $0x4000;
	p4 =	sge.u32 @!p3 s11, s6  }
0x5b: {  	[sflag:s10] =	ssyncset.done @!p3 $0x0;
	p4 =	por p4, p3;
	s15 =	rddreg [dreg:$0x7]  }
0x5c: {  	[sflag:s10] =	ssyncadd.s32 @!p3 $0xFFFFC000;
	s10 =	simm.s32 @!p4 $0x0;
	s11 =	simm.s32 @!p4 $0x80  }
0x5d: {  	[tilespmem:s11], [sflag:$0x5] =	stream.linear.gather @!p4 [hbm4b:s8+s10], $0x80, $0x38;
	[tilespmem:$0x1FA80] =	vst v63  }
0x5e: {  	s12 =	sadd.s32 @!p4 $0x8000, s30;
	s13 =	simm.s32 @!p4 $0x4180;
	p3 =	sge.u32 s9, s15  }
0x5f: {  	[tilespmem:s13], [sflag:$0x2] =	stream.linear.gather @!p4 [hbm4b:s12+s10], $0x4000, $0x38;
	[tilespmem:$0x1FA80] =	vst v63  }
0x60: {  	s10 =	simm.s32 @!p3 $0x6  }
0x61: {  	_ =	swait.ge @!p3 [sflag:s10], $0x80  }
0x62: {  	[sflag:s10] =	ssyncset.done @!p3 $0x0  }
0x63: {  	[sflag:s10] =	ssyncadd.s32 @!p3 $0xFFFFFF80;
	s10 =	simm.s32 @!p3 $0x3  }
0x64: {  	_ =	swait.ge @!p3 [sflag:s10], $0x4000  }
0x65: {  	s11 =	simm.s32 @!p3 $0x100;
	[sflag:s10] =	ssyncset.done @!p3 $0x0  }
0x66: {  	s12 =	simm.s32 @!p3 $0x8180;
	[sflag:s10] =	ssyncadd.s32 @!p3 $0xFFFFC000;
	s10 =	simm.s32 @!p3 $0x80  }
0x67: {  	[spmem:s3] =	stream.indirect.scatter.add.f32 @!p3 [tilespmem:s12], [sflag:$0x8], $0x80, s11, s10, $0xb8;
	[tilespmem:$0x1FA80] =	vst v63  }
0x68: {  	s10 =	simm.s32 @!p3 $0x8  }
0x69: {  	s11 =	sadd.s32 @!p3 $0x5, s9;
	s9 =	sadd.s32 $0x3, s9;
	_ =	swait.ge @!p3 [sflag:s10], $0x4000  }
0x6a: {  	p4 =	sge.u32 @!p3 s11, s6;
	[sflag:s10] =	ssyncset.done @!p3 $0x0;
	s17 =	rddreg [dreg:$0x8]  }
0x6b: {  	p4 =	por p4, p3;
	[sflag:s10] =	ssyncadd.s32 @!p3 $0xFFFFC000;
	p3 =	sne.s32 s17, s9  }
.Ltmp2:
0x6c: {  	s26 =	sadd.s32 $0x1800, s26;
	s8 =	sadd.s32 $0x300, s8;
	(pc) =	sbr.rel @p3 .LBB2_2-.Ltmp2, $4  }
0x6d: {  	s10 =	simm.s32 @!p4 $0x0;
	s11 =	simm.s32 @!p4 $0x100;
	s12 =	simm.s32 @!p4 $0x8180  }
0x6e: {  	[tilespmem:s11], [sflag:$0x6] =	stream.linear.gather @!p4 [hbm4b:s7+s10], $0x80, $0x38;
	[tilespmem:$0x1FA80] =	vst v63  }
0x6f: {  	s11 =	sadd.s32 @!p4 $0x10000, s30;
	s30 =	sadd.s32 $0x18000, s30;
	s7 =	sadd.s32 $0x300, s7  }
0x70: {  	[tilespmem:s12], [sflag:$0x3] =	stream.linear.gather @!p4 [hbm4b:s11+s10], $0x4000, $0x38;
	[tilespmem:$0x1FA80] =	vst v63  }
0x71: {  	s7 =	simm.s32 $0x0;
	s8 =	simm.s32 $0xC180  }
0x72: {  	[tilespmem:s8], [sflag:$0x8] =	stream.linear.gather [hbm4b:s16+s7], $0x10, $0x38;
	[tilespmem:$0x1FA80] =	vst v63  }
0x73: {  	_ =	swait.ge [sflag:s31], $0x10  }
0x74: {  	[sflag:s31] =	ssyncset.done $0x0  }
0x75: {  	[sflag:s31] =	ssyncadd.s32 $0xFFFFFFF0  }
0x76: {  	v0 =	vld [tilespmem:$0xC180];
	_ =	sdelay $0x4  }
0x77: {  	(v2sf) =	vpush v0, $0x0;
	_ =	sdelay $0xe  }
0x78: {  	s15 =	spop (v2sf)  }
0x79: {  	s17 =	sand.u32 $0x7, s15  }
0x7a: {  	s9 =	sshra.s32 s15, $0x1F;
	p3 =	slt.s32 s15, $0x1;
	p4 =	sne.s32 s17, $0x0  }
0x7b: {  	s26 =	sshrl.u32 s9, $0x1D;
	p3 =	por !p3, !p4  }
0x7c: {  	s8 =	simm.s32 $0x1;
	s7 =	sadd.s32 s26, s15;
	p3 =	por !p3, !p3  }
.Ltmp3:
0x7d: {  	s7 =	sshrl.u32 s7, $0x3;
	s8 =	simm.s32 @!p3 $0x0;
	(pc) =	sbr.rel @p1 .LBB2_7-.Ltmp3, $4  }
0x7e: {  	s7 =	ssub.s32 s7, s8  }
0x7f: {  	s8 =	sshll.u32 s7, $0x3  }
0x80: {  	s30 =	sadd.s32 $0x8, s8  }
0x81: {  	p3 =	por $0x1, $0x1;
	s10 =	smov.u32 s30  }
0x82: {  	s7 =	sadd.s32 $0x0, s29  }
0x83: {  	p4 =	slt.u32 s7, $0x9C4  }
0x84: {  	p3 =	por !p3, !p4  }
0x85: {  	p3 =	por !p3, !p3  }
0x86: {  	s7 =	simm.s32 @p3 $0x0;
	s9 =	simm.s32 @p3 $0x8  }
0x87: {  	[tilespmem:s7], [sflag:$0x8] =	stream.linear.gather @p3 [hbm4b:s22+s7], $0x80, $0x38;
	[tilespmem:$0x1FA80] =	vst v63  }
0x88: {  	_ =	swait.ge @p3 [sflag:s9], $0x80  }
0x89: {  	[sflag:s9] =	ssyncset.done @p3 $0x0  }
0x8a: {  	[sflag:s9] =	ssyncadd.s32 @p3 $0xFFFFFF80  }
0x8b: {  	v0 =	vld @p3 [tilespmem:$0x0];
	_ =	sdelay $0x4  }
0x8c: {  	(v2sf) =	vpush @p3 v0, $0x0;
	_ =	sdelay $0xe  }
0x8d: {  	s7 =	spop @p3 (v2sf)  }
0x8e: {  	p4 =	sge.s32 @p3 s7, s30  }
0x8f: {  	[smem:$0x0] =	sst @p3 s7;
	p4 =	por p4, !p3  }
0x90: {  	s7 =	simm.s32 @!p4 $0x0;
	s9 =	simm.s32 @!p4 $0x180;
	s10 =	simm.s32 @!p4 $0x8  }
0x91: {  	[tilespmem:s9], [sflag:$0x8] =	stream.linear.gather @!p4 [hbm4b:s23+s7], $0x4000, $0x38;
	[tilespmem:$0x1FA80] =	vst v63  }
0x92: {  	_ =	swait.ge @!p4 [sflag:s10], $0x4000  }
0x93: {  	[sflag:s10] =	ssyncset.done @!p4 $0x0  }
0x94: {  	s11 =	simm.s32 @!p4 $0x80;
	[sflag:s10] =	ssyncadd.s32 @!p4 $0xFFFFC000  }
0x95: {  	[spmem:s3] =	stream.indirect.scatter.add.f32 @!p4 [tilespmem:s9], [sflag:$0x8], $0x80, s7, s11, $0xb8;
	[tilespmem:$0x1FA80] =	vst v63  }
0x96: {  	_ =	swait.ge @!p4 [sflag:s10], $0x4000  }
0x97: {  	[sflag:s10] =	ssyncset.done @!p4 $0x0  }
0x98: {  	[sflag:s10] =	ssyncadd.s32 @!p4 $0xFFFFC000  }
0x99: {  	s26 =	sld [smem:$0x0];
	_ =	sdelay $0x2  }
0x9a: {  	s9 =	simm.s32 $0x20;
	s7 =	sadd.s32 $0x100, s22;
	p6 =	slt.s32 s26, s30  }
0x9b: {  	s10 =	sadd.s32 $0x10, s29;
	s26 =	sadd.s32 $0x8000, s23;
	p4 =	por !p3, !p6  }
.LBB2_5:
0x9c: {  	p5 =	slt.u32 s10, $0x9C4  }
0x9d: {  	p4 =	por !p4, !p4;
	s10 =	smov.u32 s9;
	s9 =	sadd.s32 $0x10, s9  }
0x9e: {  	p3 =	sne.s32 s9, $0x4F0;
	p4 =	por !p4, !p5  }
0x9f: {  	p4 =	por !p4, !p4  }
0xa0: {  	s11 =	simm.s32 @p4 $0x0;
	s12 =	simm.s32 @p4 $0x8  }
0xa1: {  	[tilespmem:s11], [sflag:$0x8] =	stream.linear.gather @p4 [hbm4b:s7+s11], $0x80, $0x38;
	[tilespmem:$0x1FA80] =	vst v63  }
0xa2: {  	_ =	swait.ge @p4 [sflag:s12], $0x80  }
0xa3: {  	[sflag:s12] =	ssyncset.done @p4 $0x0  }
0xa4: {  	[sflag:s12] =	ssyncadd.s32 @p4 $0xFFFFFF80  }
0xa5: {  	v0 =	vld @p4 [tilespmem:$0x0];
	_ =	sdelay $0x4  }
0xa6: {  	(v2sf) =	vpush @p4 v0, $0x0;
	_ =	sdelay $0xe  }
0xa7: {  	s11 =	spop @p4 (v2sf)  }
0xa8: {  	[smem:$0x0] =	sst @p4 s11;
	p5 =	sge.s32 @p4 s11, s30  }
0xa9: {  	p5 =	por p5, !p4  }
0xaa: {  	s11 =	simm.s32 @!p5 $0x0;
	s12 =	simm.s32 @!p5 $0x180;
	s13 =	simm.s32 @!p5 $0x8  }
0xab: {  	[tilespmem:s12], [sflag:$0x8] =	stream.linear.gather @!p5 [hbm4b:s26+s11], $0x4000, $0x38;
	[tilespmem:$0x1FA80] =	vst v63  }
0xac: {  	_ =	swait.ge @!p5 [sflag:s13], $0x4000  }
0xad: {  	[sflag:s13] =	ssyncset.done @!p5 $0x0  }
0xae: {  	s14 =	simm.s32 @!p5 $0x80;
	[sflag:s13] =	ssyncadd.s32 @!p5 $0xFFFFC000  }
0xaf: {  	[spmem:s3] =	stream.indirect.scatter.add.f32 @!p5 [tilespmem:s12], [sflag:$0x8], $0x80, s11, s14, $0xb8;
	[tilespmem:$0x1FA80] =	vst v63  }
0xb0: {  	_ =	swait.ge @!p5 [sflag:s13], $0x4000  }
0xb1: {  	[sflag:s13] =	ssyncset.done @!p5 $0x0  }
0xb2: {  	[sflag:s13] =	ssyncadd.s32 @!p5 $0xFFFFC000  }
.Ltmp4:
0xb3: {  	s11 =	sld [smem:$0x0];
	(pc) =	sbr.rel @p3 .LBB2_5-.Ltmp4, $3  }
0xb4: {  	_ =	sdelay $0x1  }
0xb5: {  	s26 =	sadd.s32 $0x8000, s26;
	p5 =	slt.s32 s11, s30  }
0xb6: {  	s10 =	sadd.s32 s10, s29;
	s7 =	sadd.s32 $0x100, s7;
	p4 =	por !p4, !p5  }
0xb7: {  	p3 =	slt.u32 s10, $0x9C4;
	p4 =	por !p4, !p4  }
0xb8: {  	p3 =	por !p4, !p3  }
0xb9: {  	p3 =	por !p3, !p3  }
0xba: {  	s9 =	simm.s32 @p3 $0x0;
	s10 =	simm.s32 @p3 $0x8  }
0xbb: {  	[tilespmem:s9], [sflag:$0x8] =	stream.linear.gather @p3 [hbm4b:s7+s9], $0x80, $0x38;
	[tilespmem:$0x1FA80] =	vst v63  }
0xbc: {  	_ =	swait.ge @p3 [sflag:s10], $0x80  }
0xbd: {  	[sflag:s10] =	ssyncset.done @p3 $0x0  }
0xbe: {  	[sflag:s10] =	ssyncadd.s32 @p3 $0xFFFFFF80  }
0xbf: {  	v0 =	vld @p3 [tilespmem:$0x0];
	_ =	sdelay $0x4  }
0xc0: {  	(v2sf) =	vpush @p3 v0, $0x0;
	_ =	sdelay $0xe  }
0xc1: {  	s7 =	spop @p3 (v2sf)  }
0xc2: {  	p4 =	sge.s32 @p3 s7, s30  }
0xc3: {  	[smem:$0x0] =	sst @p3 s7;
	p3 =	por p4, !p3  }
0xc4: {  	s7 =	simm.s32 @!p3 $0x0;
	s9 =	simm.s32 @!p3 $0x180;
	s10 =	simm.s32 @!p3 $0x8  }
0xc5: {  	[tilespmem:s9], [sflag:$0x8] =	stream.linear.gather @!p3 [hbm4b:s26+s7], $0x4000, $0x38;
	[tilespmem:$0x1FA80] =	vst v63  }
0xc6: {  	_ =	swait.ge @!p3 [sflag:s10], $0x4000  }
0xc7: {  	[sflag:s10] =	ssyncset.done @!p3 $0x0  }
0xc8: {  	s11 =	simm.s32 @!p3 $0x80;
	[sflag:s10] =	ssyncadd.s32 @!p3 $0xFFFFC000  }
0xc9: {  	[spmem:s3] =	stream.indirect.scatter.add.f32 @!p3 [tilespmem:s9], [sflag:$0x8], $0x80, s7, s11, $0xb8;
	[tilespmem:$0x1FA80] =	vst v63  }
0xca: {  	_ =	swait.ge @!p3 [sflag:s10], $0x4000  }
0xcb: {  	[sflag:s10] =	ssyncset.done @!p3 $0x0  }
0xcc: {  	[sflag:s10] =	ssyncadd.s32 @!p3 $0xFFFFC000;
	s10 =	simm.s32 $0x0  }
.LBB2_7:
0xcd: {  	s26 =	ssub.s32 $0x2708, s8  }
0xce: {  	s26 =	smov.u32 @p2 s30  }
0xcf: {  	s7 =	sand.u32 $0x38, s26  }
0xd0: {  	s13 =	sshra.s32 s26, $0x1F;
	p3 =	slt.s32 s26, $0x1;
	p4 =	sne.s32 s7, $0x0  }
0xd1: {  	s14 =	sshrl.u32 s13, $0x1A;
	p3 =	por !p3, !p4  }
0xd2: {  	s8 =	simm.s32 $0x1;
	s7 =	sadd.s32 s14, s26;
	p3 =	por !p3, !p3  }
0xd3: {  	s7 =	sshra.s32 s7, $0x6;
	s8 =	simm.s32 @!p3 $0x0  }
0xd4: {  	s15 =	stileid.u32;
	s7 =	ssub.s32 s7, s8  }
0xd5: {  	s8 =	ssub.s32 s7, s15  }
0xd6: {  	s9 =	sadd.s32 $0xF, s8  }
0xd7: {  	s11 =	sand.u32 $0xF, s9  }
0xd8: {  	p5 =	slt.s32 s8, $0xFFFFFFF2;
	p6 =	sne.s32 s11, $0x0  }
0xd9: {  	s17 =	sshrl.u32 s9, $0x1C;
	p3 =	por !p5, !p6  }
0xda: {  	s8 =	sadd.s32 s17, s9;
	s9 =	simm.s32 $0x1;
	p3 =	por !p3, !p3  }
0xdb: {  	s8 =	sshra.s32 s8, $0x4;
	s9 =	simm.s32 @!p3 $0x0  }
0xdc: {  	s30 =	ssub.s32 s8, s9  }
0xdd: {  	p3 =	slt.s32 s30, $0x1  }
.Ltmp5:
0xde: {  	_ = 	snop;
	(pc) =	sbr.rel @p3 .LBB2_13-.Ltmp5, $3  }
0xdf: {  	_ =	sdelay $0x1  }
0xe0: {  	[bflag:$0x0] =	sbarrier.arrive $0xFFFF;
	s9 =	sshll.u32 s10, $0x7  }
0xe1: {  	s10 =	sshll.u32 s10, $0x9;
	s8 =	sand.u32 $0x380, s9  }
0xe2: {  	s11 =	rddreg [dreg:$0x13]  }
0xe3: {  	s14 =	sadd.s32 s9, s11  }
0xe4: {  	s12 =	sshra.s32 s10, $0x2;
	p3 =	sne.s32 s30, $0x1;
	s11 =	sand.u32 $0x7FFFFC00, s14  }
.Ltmp6:
0xe5: {  	s17 =	rddreg [dreg:$0x14];
	s13 =	sor.u32 s8, s11;
	(pc) =	sbr.rel @!p3 .LBB2_10-.Ltmp6, $4  }
0xe6: {  	s11 =	sadd.s32 s12, s17;
	s17 =	rddreg [dreg:$0xa];
	s15 =	sshrl.u32 s13, $0x3  }
0xe7: {  	s12 =	sor.u32 $0x1C07, s17;
	s13 =	sadd.s32 s2, s15;
	s15 =	sshrl.u32 s11, $0x3  }
0xe8: {  	[hbm:s13], [sflag:s12] =	dma.local [spmem:s15], $0x400  }
0xe9: {  	s14 =	sadd.s32 $0x20000, s14;
	s13 =	sadd.s32 $0xFFFFFFFF, s30  }
.LBB2_9:
0xea: {  	s15 =	sand.u32 $0x7FFFFC00, s14;
	p4 =	sne.s32 s13, $0x1;
	s13 =	sadd.s32 $0xFFFFFFFF, s13  }
.Ltmp7:
0xeb: {  	s15 =	sor.u32 s8, s15;
	(pc) =	sbr.rel @p4 .LBB2_9-.Ltmp7, $4  }
0xec: {  	s11 =	sadd.s32 $0x20000, s11;
	s15 =	sshrl.u32 s15, $0x3  }
0xed: {  	s17 =	sshrl.u32 s11, $0x3;
	s15 =	sadd.s32 s2, s15  }
0xee: {  	[hbm:s15], [sflag:s12] =	dma.local [spmem:s17], $0x400  }
0xef: {  	s14 =	sadd.s32 $0x20000, s14  }
.LBB2_10:
.Ltmp8:
0xf0: {  	(pc) =	sbr.rel @!p3 .LBB2_12-.Ltmp8, $3  }
0xf1: {  	_ =	sdelay $0x1  }
0xf2: {  	_ =	swait.ge [sflag:s0], $0x400  }
0xf3: {  	s11 =	sadd.s32 $0xFFFFFFFF, s30;
	[sflag:s0] =	ssyncset.done $0x0  }
.LBB2_11:
0xf4: {  	p3 =	sne.s32 s11, $0x1;
	s11 =	sadd.s32 $0xFFFFFFFF, s11;
	[sflag:s0] =	ssyncadd.s32 $0xFFFFFC00  }
.Ltmp9:
0xf5: {  	(pc) =	sbr.rel @p3 .LBB2_11-.Ltmp9, $3  }
0xf6: {  	_ =	sdelay $0x1  }
0xf7: {  	_ =	swait.ge [sflag:s0], $0x400  }
0xf8: {  	[sflag:s0] =	ssyncset.done $0x0  }
.LBB2_12:
0xf9: {  	[sflag:s0] =	ssyncadd.s32 $0xFFFFFC00  }
.LBB2_13:
0xfa: {  	s11 =	sshll.u32 @!p0 s7, $0x6  }
0xfb: {  	s11 =	ssub.s32 @!p0 s26, s11  }
0xfc: {  	s11 =	sshra.s32 @!p0 s11, $0x3  }
0xfd: {  	p3 =	slt.s32 @!p0 s11, $0x1  }
0xfe: {  	p3 =	por p0, p3  }
.Ltmp10:
0xff: {  	_ = 	snop;
	(pc) =	sbr.rel @p3 .LBB2_17-.Ltmp10, $1  }
0x100: {  	_ =	sdelay $0x3  }
0x101: {  	s12 =	sshll.u32 s7, $0xD  }
0x102: {  	s17 =	sshll.u32 s7, $0xF;
	s9 =	sadd.s32 s9, s12  }
0x103: {  	p3 =	sne.s32 s11, $0x1;
	s7 =	sadd.s32 s10, s17;
	s26 =	sand.u32 $0x7FFFFC00, s9  }
.Ltmp11:
0x104: {  	s7 =	sshra.s32 s7, $0x2;
	s10 =	sor.u32 s8, s26;
	(pc) =	sbr.rel @!p3 .LBB2_16-.Ltmp11, $4  }
0x105: {  	s7 =	sadd.s32 s7, s3;
	s10 =	sshrl.u32 s10, $0x3  }
0x106: {  	s30 =	sshrl.u32 s7, $0x3;
	s10 =	sadd.s32 s2, s10  }
0x107: {  	[hbm:s10], [sflag:s28] =	dma.local [spmem:s30], $0x80  }
0x108: {  	s9 =	sadd.s32 $0x400, s9;
	s10 =	sadd.s32 $0xFFFFFFFF, s11  }
.LBB2_15:
0x109: {  	s11 =	sand.u32 $0x7FFFFC00, s9;
	p3 =	sne.s32 s10, $0x1  }
.Ltmp12:
0x10a: {  	s7 =	sadd.s32 $0x400, s7;
	s11 =	sor.u32 s8, s11;
	(pc) =	sbr.rel @p3 .LBB2_15-.Ltmp12, $4  }
0x10b: {  	s9 =	sadd.s32 $0x400, s9;
	s11 =	sshrl.u32 s11, $0x3;
	_ =	swait.ge [sflag:s31], $0x80  }
0x10c: {  	s12 =	sshrl.u32 s7, $0x3;
	s11 =	sadd.s32 s2, s11;
	[sflag:s31] =	ssyncset.done $0x0  }
0x10d: {  	s10 =	sadd.s32 $0xFFFFFFFF, s10;
	[sflag:s31] =	ssyncadd.s32 $0xFFFFFF80  }
0x10e: {  	[hbm:s11], [sflag:s28] =	dma.local [spmem:s12], $0x80  }
.Ltmp13:
0x10f: {  	_ = 	snop;
	(pc) =	sbr.rel .LBB2_16-.Ltmp13, $1  }
0x110: {  	_ =	sdelay $0x3  }
.LBB2_18:
0x111: {  	_ =	sfence.sel $0x180000  }
0x112: {  	[bflag:$0x0] =	sbarrier.arrive $0xFFFF  }
0x113: {  	_ =	strace $0x90000047  }
0x114: {  	[bflag:$0x2] =	sbarrier.arrive $0xFFFF  }
0x115: {  	s0 =	rddreg [dreg:$0x5]  }
0x116: {  	s0 =	sadd.s32 @!p0 $0x100000, s0  }
0x117: {  	[sflag:s0] =	ssyncadd.tile.s32 @!p0 $0x1;
	_ =	shalt  }
.Lfunc_end2:
_tile_overlayer_lowered:
.L_overlay_start_2:
0x118: {  	(tag) =	ssettag $0x2  }
0x119: {  	s0 =	rddreg [dreg:$0x0];
	s2 =	stileid.u32  }
0x11a: {  	s1 =	rddreg [dreg:$0x1];
	p0 =	sne.s32 s2, $0x0  }
0x11b: {  	s3 =	rddreg [dreg:$0x2];
	[bflag:$0x3] =	sbarrier.arrive $0xFFFF;
	s2 =	simm.s32 @!p0 $0x1C08  }
0x11c: {  	[timem:s3], [sflag:s2] =	dma.local @!p0 [hbm:s0], s1  }
0x11d: {  	s0 =	simm.s32 @!p0 $0x8  }
0x11e: {  	_ =	swait.ge @!p0 [sflag:s0], s1  }
0x11f: {  	s1 =	ssub.s32 @!p0 $0x0, s1;
	[sflag:s0] =	ssyncset.done @!p0 $0x0  }
0x120: {  	[sflag:s0] =	ssyncadd.s32 @!p0 s1  }
0x121: {  	[bflag:$0x3] =	sbarrier.arrive $0xFFFF  }
0x122: {  	_ =	shalt  }

</sc_bundles>
